<compile_context>
chip_gen: v7x
topology: tpu7x:2x2x1
jax: 0.10.2.dev20260603
libtpu: 0.0.44.dev20260713+nightly
codegen_flags: <defaults>
</compile_context>

<pallas_src>
import functools

import jax
import jax.numpy as jnp
from jax import lax
from jax.experimental import pallas as pl
from jax.experimental.pallas import tpu as pltpu
from jax.experimental.pallas import tpu_sc as plsc

N = 10000
E = 160000
D = 256
H = 128
NC = 2
NS = 16
EP = 163840
PAD_DST = 10200
NP = 10240
DEGW = 16

_mesh = plsc.VectorSubcoreMesh(core_axis_name="c", subcore_axis_name="s")


@functools.partial(
    pl.kernel,
    out_type=(
        jax.ShapeDtypeStruct((NP, DEGW), jnp.float32),
        jax.ShapeDtypeStruct((NP, DEGW), jnp.float32),
    ),
    mesh=_mesh,
    scratch_types=(
        pltpu.VMEM((40, 128), jnp.int32),
        pltpu.VMEM((128, DEGW), jnp.float32),
        pltpu.VMEM_SHARED((NP, DEGW), jnp.float32),
    ),
)
def _deg_kernel(dst_hbm, deg0_hbm, deg1_hbm, dst_v, wbuf, deg_sh):
    cid = lax.axis_index("c")
    sid = lax.axis_index("s")
    wid = cid * NS + sid

    def fill(val):
        def body(i, _):
            wbuf[i, pl.ds(0, 16)] = jnp.full((16,), val, jnp.float32)
            return 0
        lax.fori_loop(0, 128, body, 0)

    fill(0.0)
    def zero_body(k, _):
        pltpu.sync_copy(wbuf, deg_sh.at[pl.ds(sid * 640 + k * 128, 128)])
        return 0
    lax.fori_loop(0, 5, zero_body, 0)
    plsc.subcore_barrier()

    pltpu.sync_copy(dst_hbm.at[wid], dst_v)
    fill(1.0)
    def add_body(j, _):
        pltpu.sync_copy(wbuf, deg_sh.at[dst_v.at[j]], add=True)
        return 0
    lax.fori_loop(0, 40, add_body, 0)
    plsc.subcore_barrier()
    plsc.subcore_barrier()

    def out_body(k, _):
        rows = pl.ds(sid * 640 + k * 128, 128)
        pltpu.sync_copy(deg_sh.at[rows], wbuf)
        @pl.when(cid == 0)
        def _():
            pltpu.sync_copy(wbuf, deg0_hbm.at[rows])
        @pl.when(cid == 1)
        def _():
            pltpu.sync_copy(wbuf, deg1_hbm.at[rows])
        return 0
    lax.fori_loop(0, 5, out_body, 0)


CH = 512
NCH = 10240 // CH


@functools.partial(
    pl.kernel,
    out_type=(
        jax.ShapeDtypeStruct((NP, H), jnp.float32),
        jax.ShapeDtypeStruct((NP, H), jnp.float32),
    ),
    mesh=_mesh,
    scratch_types=(
        pltpu.VMEM((80, 128), jnp.int32),
        pltpu.VMEM((80, 128), jnp.int32),
        pltpu.VMEM((128, H), jnp.float32),
        pltpu.VMEM_SHARED((NP, H), jnp.float32),
    ),
)
def _segsum_kernel(src_hbm, dst_hbm, hp0_hbm, hp1_hbm, ss0_hbm, ss1_hbm,
                   src_v, dst_v, gbuf, acc_sh):
    cid = lax.axis_index("c")
    sid = lax.axis_index("s")

    def zfill(i, _):
        def seg(k, _):
            gbuf[i, pl.ds(k * 16, 16)] = jnp.zeros((16,), jnp.float32)
            return 0
        lax.fori_loop(0, H // 16, seg, 0)
        return 0
    lax.fori_loop(0, 128, zfill, 0)
    def zero_body(k, _):
        pltpu.sync_copy(gbuf, acc_sh.at[pl.ds(sid * 640 + k * 128, 128)])
        return 0
    lax.fori_loop(0, 5, zero_body, 0)
    plsc.subcore_barrier()

    pltpu.sync_copy(src_hbm.at[pl.ds(sid * 80, 80)], src_v)
    pltpu.sync_copy(dst_hbm.at[pl.ds(sid * 80, 80)], dst_v)

    def run(hp_hbm):
        def body(j, _):
            pltpu.sync_copy(hp_hbm.at[src_v.at[j]], gbuf)
            pltpu.sync_copy(gbuf, acc_sh.at[dst_v.at[j]], add=True)
            return 0
        lax.fori_loop(0, 80, body, 0)

    @pl.when(cid == 0)
    def _():
        run(hp0_hbm)
    @pl.when(cid == 1)
    def _():
        run(hp1_hbm)
    plsc.subcore_barrier()
    plsc.subcore_barrier()

    def out_body(k, _):
        rows = pl.ds(sid * 640 + k * 128, 128)
        pltpu.sync_copy(acc_sh.at[rows], gbuf)
        @pl.when(cid == 0)
        def _():
            pltpu.sync_copy(gbuf, ss0_hbm.at[rows])
        @pl.when(cid == 1)
        def _():
            pltpu.sync_copy(gbuf, ss1_hbm.at[rows])
        return 0
    lax.fori_loop(0, 5, out_body, 0)


BS = 1000


def _tc1_body(x_ref, w0_ref, w1_ref, d0_ref, d1_ref, hp0_ref, hp1_ref):
    deg = d0_ref[:, :1] + d1_ref[:, :1] + 1.0
    ds = lax.rsqrt(deg)
    xb = x_ref[...]
    dot = functools.partial(jnp.dot, preferred_element_type=jnp.float32,
                            precision=lax.Precision.HIGHEST)
    hp0_ref[...] = dot(xb, w0_ref[...]) * ds
    hp1_ref[...] = dot(xb, w1_ref[...]) * ds


def _tc2a_body(ss0, ss1, hp0, hp1, d0, d1, b0, b1, t_ref, s0, q0, s1, q1):
    deg = d0[:, :1] + d1[:, :1] + 1.0
    ds = lax.rsqrt(deg)
    a0 = ds * (ss0[...] + hp0[...]) + b0[...]
    a1 = ds * (ss1[...] + hp1[...]) + b1[...]
    t0 = jnp.where(a0 >= 0, a0, 0.01 * a0)
    t1 = jnp.where(a1 >= 0, a1, 0.01 * a1)
    t_ref[:, :H] = t0
    t_ref[:, H:] = t1

    @pl.when(pl.program_id(0) == 0)
    def _():
        s0[...] = jnp.zeros_like(s0)
        q0[...] = jnp.zeros_like(q0)
        s1[...] = jnp.zeros_like(s1)
        q1[...] = jnp.zeros_like(q1)

    s0[...] += jnp.sum(t0, axis=0, keepdims=True)
    q0[...] += jnp.sum(t0 * t0, axis=0, keepdims=True)
    s1[...] += jnp.sum(t1, axis=0, keepdims=True)
    q1[...] += jnp.sum(t1 * t1, axis=0, keepdims=True)


def _tc2b_body(t, s0, q0, s1, q1, g0, g1, be0, be1, out_ref):
    n = jnp.float32(N)
    m0 = s0[...] / n
    m1 = s1[...] / n
    v0 = q0[...] / n - m0 * m0
    v1 = q1[...] / n - m1 * m1
    sc0 = g0[...] * lax.rsqrt(v0 + 1e-5)
    sc1 = g1[...] * lax.rsqrt(v1 + 1e-5)
    out_ref[:, :H] = t[:, :H] * sc0 + (be0[...] - m0 * sc0)
    out_ref[:, H:] = t[:, H:] * sc1 + (be1[...] - m1 * sc1)


def kernel(x, edge_index, W, b, gamma, beta):
    src = edge_index[0].astype(jnp.int32)
    dst = edge_index[1].astype(jnp.int32)
    npad = EP - E
    src_p = jnp.concatenate([src, jnp.zeros((npad,), jnp.int32)])
    dst_p = jnp.concatenate([dst, jnp.full((npad,), PAD_DST, jnp.int32)])
    dst3 = dst_p.reshape(NC * NS, 40, 128)
    src2 = src_p.reshape(NS * 80, 128)
    dst2 = dst_p.reshape(NS * 80, 128)

    deg0, deg1 = _deg_kernel(dst3)

    grid = N // BS
    row_block = lambda w: pl.BlockSpec((BS, w), lambda i: (i, 0))
    full = lambda shp: pl.BlockSpec(shp, lambda i: tuple(0 for _ in shp))

    hp0, hp1 = pl.pallas_call(
        _tc1_body,
        grid=(grid,),
        in_specs=[row_block(D), full((D, H)), full((D, H)),
                  row_block(DEGW), row_block(DEGW)],
        out_specs=[row_block(H), row_block(H)],
        out_shape=[jax.ShapeDtypeStruct((N, H), jnp.float32)] * 2,
    )(x, W[:, :H], W[:, H:], deg0, deg1)

    ss0, ss1 = _segsum_kernel(src2, dst2, hp0, hp1)

    stat = pl.BlockSpec((1, H), lambda i: (0, 0))
    t, s0, q0, s1, q1 = pl.pallas_call(
        _tc2a_body,
        grid=(grid,),
        in_specs=[row_block(H)] * 4 + [row_block(DEGW)] * 2 + [full((1, H))] * 2,
        out_specs=[row_block(D), stat, stat, stat, stat],
        out_shape=[jax.ShapeDtypeStruct((N, D), jnp.float32)]
        + [jax.ShapeDtypeStruct((1, H), jnp.float32)] * 4,
    )(ss0, ss1, hp0, hp1, deg0, deg1,
      b[:H].reshape(1, H), b[H:].reshape(1, H))

    out = pl.pallas_call(
        _tc2b_body,
        grid=(grid,),
        in_specs=[row_block(D)] + [full((1, H))] * 8,
        out_specs=row_block(D),
        out_shape=jax.ShapeDtypeStruct((N, D), jnp.float32),
    )(t, s0, q0, s1, q1,
      gamma[:H].reshape(1, H), gamma[H:].reshape(1, H),
      beta[:H].reshape(1, H), beta[H:].reshape(1, H))
    return out

# --- scband reference (transcript-rebuilt; emitter-appended) ---
"""Pipeline reference for scband-graph-conv-block-56796647522980 (READ-ONLY COPY).

The authoritative reference and input builder live on the scoring server;
editing this copy changes nothing except your own understanding.
"""

import jax, jax.numpy as jnp
import numpy as np

N_NODES = 10000
N_EDGES = 160000
D_IN = 256
D_OUT = 256


def setup_inputs(seed: int = 0) -> dict:
    key = jax.random.key(seed)
    k0, k1, k2 = jax.random.split(key, 3)
    x = jax.random.normal(k0, (N_NODES, D_IN), dtype=jnp.float32)
    edge_index = jax.random.randint(k1, (2, N_EDGES), 0, N_NODES, dtype=jnp.int32)
    # GCNConv weight (glorot-ish) and bias
    W = jax.random.normal(k2, (D_IN, D_OUT), dtype=jnp.float32) * (1.0 / np.sqrt(D_IN))
    b = jnp.zeros((D_OUT,), dtype=jnp.float32)
    # BatchNorm affine params
    gamma = jnp.ones((D_OUT,), dtype=jnp.float32)
    beta = jnp.zeros((D_OUT,), dtype=jnp.float32)
    return {"x": x, "edge_index": edge_index, "W": W, "b": b, "gamma": gamma, "beta": beta}


def reference(x, edge_index, W, b, gamma, beta):
    N = x.shape[0]
    # --- GCNConv: add self-loops, symmetric normalization, propagate ---
    loops = jnp.arange(N, dtype=edge_index.dtype)
    src = jnp.concatenate([edge_index[0], loops])
    dst = jnp.concatenate([edge_index[1], loops])
    deg = jnp.zeros((N,), dtype=x.dtype).at[dst].add(1.0)
    deg_inv_sqrt = jnp.where(deg > 0, 1.0 / jnp.sqrt(deg), 0.0)
    norm = deg_inv_sqrt[src] * deg_inv_sqrt[dst]
    h = x @ W                      # linear transform
    msg = h[src] * norm[:, None]   # gather + scale (SparseCore gather)
    agg = jax.ops.segment_sum(msg, dst, num_segments=N)  # scatter-add
    out = agg + b
    # --- LeakyReLU (default negative_slope=0.01) ---
    out = jnp.where(out >= 0, out, 0.01 * out)
    # --- BatchNorm1d over nodes (training-mode batch stats) ---
    mean = jnp.mean(out, axis=0)
    var = jnp.var(out, axis=0)
    out = (out - mean) / jnp.sqrt(var + 1e-5) * gamma + beta
    # dropout=False -> identity
    return out

if __name__ == "__main__":
    import jax
    _d = setup_inputs()
    print(jax.jit(kernel)(*tuple(_d.values())))

</pallas_src>

<mosaic_0001>
#map = affine_map<(d0, d1) -> (0, 0, 0)>
#map1 = affine_map<(d0, d1) -> (0, 0)>
module attributes {stable_mosaic.version = 14 : i64} {
  func.func @_deg_kernel(%arg0: i32, %arg1: i32, %arg2: memref<32x40x128xi32, #tpu.memory_space<hbm>>, %arg3: memref<10240x16xf32, #tpu.memory_space<hbm>>, %arg4: memref<10240x16xf32, #tpu.memory_space<hbm>>, %arg5: memref<40x128xi32, #tpu.memory_space<vmem>>, %arg6: memref<128x16xf32, #tpu.memory_space<vmem>>, %arg7: memref<10240x16xf32, #tpu.memory_space<vmem_shared>>) attributes {dimension_semantics = [#tpu.dimension_semantics<core_parallel>, #tpu.dimension_semantics<subcore_parallel>], iteration_bounds = array<i64: 2, 16>, scalar_prefetch = 0 : i64, scratch_operands = 3 : i64, tpu.core_type = #tpu.core_type<sc_vector_subcore>, window_params = [{transform_indices = #map}, {transform_indices = #map1}, {transform_indices = #map1}]} {
    %mul3A = arith.constant 16 : i32
    %mul3A_0 = arith.muli %arg0, %mul3A : i32
    %add3A = arith.addi %mul3A_0, %arg1 : i32
    %scan3A = arith.constant 0 : i32
    %scan3A_1 = arith.constant 0 : i32
    %scan3A_2 = arith.constant 128 : i32
    %scan3A_3 = arith.addi %scan3A_1, %scan3A_2 : i32
    %scan3A_4 = arith.constant 1 : i32
    %scan3A_5 = scf.for %scan3A_37 = %scan3A_1 to %scan3A_3 step %scan3A_4 iter_args(%scan3A_38 = %scan3A) -> (i32)  : i32 {
      %broadcast_in_dim3A = arith.constant 0.000000e+00 : f32
      %broadcast_in_dim3A_39 = vector.broadcast %broadcast_in_dim3A : f32 to vector<16xf32>
      %swap3A = arith.index_cast %scan3A_37 : i32 to index
      %swap3A_40 = arith.constant 0 : index
      %swap3A_41 = tpu.vector_load %arg6[%swap3A, %swap3A_40] {strides = array<i32>} : memref<128x16xf32, #tpu.memory_space<vmem>>, vector<1x16xf32>,
      %swap3A_42 = vector.shape_cast %swap3A_41 : vector<1x16xf32> to vector<16xf32>
      %swap3A_43 = vector.shape_cast %broadcast_in_dim3A_39 : vector<16xf32> to vector<1x16xf32>
      tpu.vector_store %arg6[%swap3A, %swap3A_40], %swap3A_43 {strides = array<i32>} : memref<128x16xf32, #tpu.memory_space<vmem>>, vector<1x16xf32>,
      %scan3A_44 = arith.constant 0 : i32
      scf.yield %scan3A_44 : i32
    }
    %scan3A_6 = arith.constant 128 : i32
    %scan3A_7 = arith.constant 0 : i32
    %scan3A_8 = arith.constant 0 : i32
    %scan3A_9 = arith.constant 5 : i32
    %scan3A_10 = arith.addi %scan3A_8, %scan3A_9 : i32
    %scan3A_11 = arith.constant 1 : i32
    %scan3A_12 = scf.for %scan3A_37 = %scan3A_8 to %scan3A_10 step %scan3A_11 iter_args(%scan3A_38 = %scan3A_7) -> (i32)  : i32 {
      %mul3A_39 = arith.constant 640 : i32
      %mul3A_40 = arith.muli %arg1, %mul3A_39 : i32
      %mul3A_41 = arith.constant 128 : i32
      %mul3A_42 = arith.muli %scan3A_37, %mul3A_41 : i32
      %add3A_43 = arith.addi %mul3A_40, %mul3A_42 : i32
      "tpu.region"() ({
        %run_scoped3A = tpu.sem_alloc : memref<!tpu.dma_semaphore, #tpu.memory_space<semaphore_mem>>
        %dma_start3A = arith.constant 0 : i32
        %dma_start3A_45 = tpu.memref_slice %arg7[%add3A_43, %dma_start3A] : memref<10240x16xf32, #tpu.memory_space<vmem_shared>> -> memref<128x16xf32, #tpu.memory_space<vmem_shared>>
        %dma_start3A_46 = arith.constant 0 : i32
        %dma_start3A_47 = tpu.memref_slice %arg7[%add3A_43, %dma_start3A_46] : memref<10240x16xf32, #tpu.memory_space<vmem_shared>> -> memref<128x16xf32, #tpu.memory_space<vmem_shared>>
        tpu.enqueue_dma source(%arg6 : memref<128x16xf32, #tpu.memory_space<vmem>>) target(%dma_start3A_47 : memref<128x16xf32, #tpu.memory_space<vmem_shared>>) target_semaphore(%run_scoped3A : memref<!tpu.dma_semaphore, #tpu.memory_space<semaphore_mem>>)
        %dma_wait3A = arith.constant 0 : i32
        %dma_wait3A_48 = tpu.memref_slice %arg7[%add3A_43, %dma_wait3A] : memref<10240x16xf32, #tpu.memory_space<vmem_shared>> -> memref<128x16xf32, #tpu.memory_space<vmem_shared>>
        %dma_wait3A_49 = arith.constant 0 : i32
        %dma_wait3A_50 = tpu.memref_slice %arg7[%add3A_43, %dma_wait3A_49] : memref<10240x16xf32, #tpu.memory_space<vmem_shared>> -> memref<128x16xf32, #tpu.memory_space<vmem_shared>>
        tpu.wait_dma2 semaphore(%run_scoped3A : memref<!tpu.dma_semaphore, #tpu.memory_space<semaphore_mem>>) src(%arg6 : memref<128x16xf32, #tpu.memory_space<vmem>>) dst(%dma_wait3A_50 : memref<128x16xf32, #tpu.memory_space<vmem_shared>>)
        tpu.yield
      }) : () -> ()
      %scan3A_44 = arith.constant 0 : i32
      scf.yield %scan3A_44 : i32
    }
    %scan3A_13 = arith.constant 5 : i32
    %barrier3A = arith.constant 0 : index
    tpu.barrier barrier_id(%barrier3A)
    "tpu.region"() ({
      %run_scoped3A = tpu.sem_alloc : memref<!tpu.dma_semaphore, #tpu.memory_space<semaphore_mem>>
      %dma_start3A = arith.constant 0 : i32
      %dma_start3A_37 = arith.constant 0 : i32
      %dma_start3A_38 = tpu.memref_slice %arg2[%add3A, %dma_start3A, %dma_start3A_37] : memref<32x40x128xi32, #tpu.memory_space<hbm>> -> memref<1x40x128xi32, #tpu.memory_space<hbm>>
      %dma_start3A_39 = tpu.memref_squeeze %dma_start3A_38 : memref<1x40x128xi32, #tpu.memory_space<hbm>> -> memref<40x128xi32, #tpu.memory_space<hbm>>
      %dma_start3A_40 = arith.constant 0 : i32
      %dma_start3A_41 = arith.constant 0 : i32
      %dma_start3A_42 = tpu.memref_slice %arg2[%add3A, %dma_start3A_40, %dma_start3A_41] : memref<32x40x128xi32, #tpu.memory_space<hbm>> -> memref<1x40x128xi32, #tpu.memory_space<hbm>>
      %dma_start3A_43 = tpu.memref_squeeze %dma_start3A_42 : memref<1x40x128xi32, #tpu.memory_space<hbm>> -> memref<40x128xi32, #tpu.memory_space<hbm>>
      tpu.enqueue_dma source(%dma_start3A_43 : memref<40x128xi32, #tpu.memory_space<hbm>>) target(%arg5 : memref<40x128xi32, #tpu.memory_space<vmem>>) target_semaphore(%run_scoped3A : memref<!tpu.dma_semaphore, #tpu.memory_space<semaphore_mem>>)
      %dma_wait3A = arith.constant 0 : i32
      %dma_wait3A_44 = arith.constant 0 : i32
      %dma_wait3A_45 = tpu.memref_slice %arg2[%add3A, %dma_wait3A, %dma_wait3A_44] : memref<32x40x128xi32, #tpu.memory_space<hbm>> -> memref<1x40x128xi32, #tpu.memory_space<hbm>>
      %dma_wait3A_46 = tpu.memref_squeeze %dma_wait3A_45 : memref<1x40x128xi32, #tpu.memory_space<hbm>> -> memref<40x128xi32, #tpu.memory_space<hbm>>
      %dma_wait3A_47 = arith.constant 0 : i32
      %dma_wait3A_48 = arith.constant 0 : i32
      %dma_wait3A_49 = tpu.memref_slice %arg2[%add3A, %dma_wait3A_47, %dma_wait3A_48] : memref<32x40x128xi32, #tpu.memory_space<hbm>> -> memref<1x40x128xi32, #tpu.memory_space<hbm>>
      %dma_wait3A_50 = tpu.memref_squeeze %dma_wait3A_49 : memref<1x40x128xi32, #tpu.memory_space<hbm>> -> memref<40x128xi32, #tpu.memory_space<hbm>>
      tpu.wait_dma2 semaphore(%run_scoped3A : memref<!tpu.dma_semaphore, #tpu.memory_space<semaphore_mem>>) src(%dma_wait3A_50 : memref<40x128xi32, #tpu.memory_space<hbm>>) dst(%arg5 : memref<40x128xi32, #tpu.memory_space<vmem>>)
      tpu.yield
    }) : () -> ()
    %scan3A_14 = arith.constant 0 : i32
    %scan3A_15 = arith.constant 0 : i32
    %scan3A_16 = arith.constant 128 : i32
    %scan3A_17 = arith.addi %scan3A_15, %scan3A_16 : i32
    %scan3A_18 = arith.constant 1 : i32
    %scan3A_19 = scf.for %scan3A_37 = %scan3A_15 to %scan3A_17 step %scan3A_18 iter_args(%scan3A_38 = %scan3A_14) -> (i32)  : i32 {
      %broadcast_in_dim3A = arith.constant 1.000000e+00 : f32
      %broadcast_in_dim3A_39 = vector.broadcast %broadcast_in_dim3A : f32 to vector<16xf32>
      %swap3A = arith.index_cast %scan3A_37 : i32 to index
      %swap3A_40 = arith.constant 0 : index
      %swap3A_41 = tpu.vector_load %arg6[%swap3A, %swap3A_40] {strides = array<i32>} : memref<128x16xf32, #tpu.memory_space<vmem>>, vector<1x16xf32>,
      %swap3A_42 = vector.shape_cast %swap3A_41 : vector<1x16xf32> to vector<16xf32>
      %swap3A_43 = vector.shape_cast %broadcast_in_dim3A_39 : vector<16xf32> to vector<1x16xf32>
      tpu.vector_store %arg6[%swap3A, %swap3A_40], %swap3A_43 {strides = array<i32>} : memref<128x16xf32, #tpu.memory_space<vmem>>, vector<1x16xf32>,
      %scan3A_44 = arith.constant 0 : i32
      scf.yield %scan3A_44 : i32
    }
    %scan3A_20 = arith.constant 128 : i32
    %scan3A_21 = arith.constant 0 : i32
    %scan3A_22 = arith.constant 0 : i32
    %scan3A_23 = arith.constant 40 : i32
    %scan3A_24 = arith.addi %scan3A_22, %scan3A_23 : i32
    %scan3A_25 = arith.constant 1 : i32
    %scan3A_26 = scf.for %scan3A_37 = %scan3A_22 to %scan3A_24 step %scan3A_25 iter_args(%scan3A_38 = %scan3A_21) -> (i32)  : i32 {
      "tpu.region"() ({
        %run_scoped3A = tpu.sem_alloc : memref<!tpu.dma_semaphore, #tpu.memory_space<semaphore_mem>>
        %dma_start3A = arith.constant 0 : i32
        %dma_start3A_40 = tpu.memref_slice %arg5[%scan3A_37, %dma_start3A] : memref<40x128xi32, #tpu.memory_space<vmem>> -> memref<1x128xi32, #tpu.memory_space<vmem>>
        %dma_start3A_41 = tpu.memref_squeeze %dma_start3A_40 : memref<1x128xi32, #tpu.memory_space<vmem>> -> memref<128xi32, #tpu.memory_space<vmem>>
        %dma_start3A_42 = arith.constant 0 : i32
        %dma_start3A_43 = arith.constant 0 : i32
        %dma_start3A_44 = tpu.memref_slice %arg7[%dma_start3A_42, %dma_start3A_43] : memref<10240x16xf32, #tpu.memory_space<vmem_shared>> -> memref<10240x16xf32, #tpu.memory_space<vmem_shared>>
        tpu.enqueue_indirect_dma source(%arg6 : memref<128x16xf32, #tpu.memory_space<vmem>>) target(%dma_start3A_44 : memref<10240x16xf32, #tpu.memory_space<vmem_shared>>) offsets(%dma_start3A_41 : memref<128xi32, #tpu.memory_space<vmem>>) semaphore(%run_scoped3A : memref<!tpu.dma_semaphore, #tpu.memory_space<semaphore_mem>>) {add = true}
        %dma_wait3A = arith.constant 0 : i32
        %dma_wait3A_45 = tpu.memref_slice %arg5[%scan3A_37, %dma_wait3A] : memref<40x128xi32, #tpu.memory_space<vmem>> -> memref<1x128xi32, #tpu.memory_space<vmem>>
        %dma_wait3A_46 = tpu.memref_squeeze %dma_wait3A_45 : memref<1x128xi32, #tpu.memory_space<vmem>> -> memref<128xi32, #tpu.memory_space<vmem>>
        %dma_wait3A_47 = arith.constant 0 : i32
        %dma_wait3A_48 = arith.constant 0 : i32
        %dma_wait3A_49 = tpu.memref_slice %arg7[%dma_wait3A_47, %dma_wait3A_48] : memref<10240x16xf32, #tpu.memory_space<vmem_shared>> -> memref<10240x16xf32, #tpu.memory_space<vmem_shared>>
        tpu.wait_indirect_dma semaphore(%run_scoped3A : memref<!tpu.dma_semaphore, #tpu.memory_space<semaphore_mem>>) src(%arg6 : memref<128x16xf32, #tpu.memory_space<vmem>>) dst(%dma_wait3A_49 : memref<10240x16xf32, #tpu.memory_space<vmem_shared>>)
        tpu.yield
      }) : () -> ()
      %scan3A_39 = arith.constant 0 : i32
      scf.yield %scan3A_39 : i32
    }
    %scan3A_27 = arith.constant 40 : i32
    %barrier3A_28 = arith.constant 0 : index
    tpu.barrier barrier_id(%barrier3A_28)
    %barrier3A_29 = arith.constant 0 : index
    tpu.barrier barrier_id(%barrier3A_29)
    %scan3A_30 = arith.constant 0 : i32
    %scan3A_31 = arith.constant 0 : i32
    %scan3A_32 = arith.constant 5 : i32
    %scan3A_33 = arith.addi %scan3A_31, %scan3A_32 : i32
    %scan3A_34 = arith.constant 1 : i32
    %scan3A_35 = scf.for %scan3A_37 = %scan3A_31 to %scan3A_33 step %scan3A_34 iter_args(%scan3A_38 = %scan3A_30) -> (i32)  : i32 {
      %mul3A_39 = arith.constant 640 : i32
      %mul3A_40 = arith.muli %arg1, %mul3A_39 : i32
      %mul3A_41 = arith.constant 128 : i32
      %mul3A_42 = arith.muli %scan3A_37, %mul3A_41 : i32
      %add3A_43 = arith.addi %mul3A_40, %mul3A_42 : i32
      "tpu.region"() ({
        %run_scoped3A = tpu.sem_alloc : memref<!tpu.dma_semaphore, #tpu.memory_space<semaphore_mem>>
        %dma_start3A = arith.constant 0 : i32
        %dma_start3A_52 = tpu.memref_slice %arg7[%add3A_43, %dma_start3A] : memref<10240x16xf32, #tpu.memory_space<vmem_shared>> -> memref<128x16xf32, #tpu.memory_space<vmem_shared>>
        %dma_start3A_53 = arith.constant 0 : i32
        %dma_start3A_54 = tpu.memref_slice %arg7[%add3A_43, %dma_start3A_53] : memref<10240x16xf32, #tpu.memory_space<vmem_shared>> -> memref<128x16xf32, #tpu.memory_space<vmem_shared>>
        tpu.enqueue_dma source(%dma_start3A_54 : memref<128x16xf32, #tpu.memory_space<vmem_shared>>) target(%arg6 : memref<128x16xf32, #tpu.memory_space<vmem>>) target_semaphore(%run_scoped3A : memref<!tpu.dma_semaphore, #tpu.memory_space<semaphore_mem>>)
        %dma_wait3A = arith.constant 0 : i32
        %dma_wait3A_55 = tpu.memref_slice %arg7[%add3A_43, %dma_wait3A] : memref<10240x16xf32, #tpu.memory_space<vmem_shared>> -> memref<128x16xf32, #tpu.memory_space<vmem_shared>>
        %dma_wait3A_56 = arith.constant 0 : i32
        %dma_wait3A_57 = tpu.memref_slice %arg7[%add3A_43, %dma_wait3A_56] : memref<10240x16xf32, #tpu.memory_space<vmem_shared>> -> memref<128x16xf32, #tpu.memory_space<vmem_shared>>
        tpu.wait_dma2 semaphore(%run_scoped3A : memref<!tpu.dma_semaphore, #tpu.memory_space<semaphore_mem>>) src(%dma_wait3A_57 : memref<128x16xf32, #tpu.memory_space<vmem_shared>>) dst(%arg6 : memref<128x16xf32, #tpu.memory_space<vmem>>)
        tpu.yield
      }) : () -> ()
      %eq3A = arith.constant 0 : i32
      %eq3A_44 = arith.cmpi eq, %arg0, %eq3A : i32
      %convert_element_type3A = arith.extui %eq3A_44 : i1 to i32
      %cond3A = arith.constant 0 : i32
      %cond3A_45 = arith.cmpi ne, %convert_element_type3A, %cond3A : i32
      scf.if %cond3A_45 {
        "tpu.region"() ({
          %run_scoped3A = tpu.sem_alloc : memref<!tpu.dma_semaphore, #tpu.memory_space<semaphore_mem>>
          %dma_start3A = arith.constant 0 : i32
          %dma_start3A_52 = tpu.memref_slice %arg3[%add3A_43, %dma_start3A] : memref<10240x16xf32, #tpu.memory_space<hbm>> -> memref<128x16xf32, #tpu.memory_space<hbm>>
          %dma_start3A_53 = arith.constant 0 : i32
          %dma_start3A_54 = tpu.memref_slice %arg3[%add3A_43, %dma_start3A_53] : memref<10240x16xf32, #tpu.memory_space<hbm>> -> memref<128x16xf32, #tpu.memory_space<hbm>>
          tpu.enqueue_dma source(%arg6 : memref<128x16xf32, #tpu.memory_space<vmem>>) target(%dma_start3A_54 : memref<128x16xf32, #tpu.memory_space<hbm>>) target_semaphore(%run_scoped3A : memref<!tpu.dma_semaphore, #tpu.memory_space<semaphore_mem>>)
          %dma_wait3A = arith.constant 0 : i32
          %dma_wait3A_55 = tpu.memref_slice %arg3[%add3A_43, %dma_wait3A] : memref<10240x16xf32, #tpu.memory_space<hbm>> -> memref<128x16xf32, #tpu.memory_space<hbm>>
          %dma_wait3A_56 = arith.constant 0 : i32
          %dma_wait3A_57 = tpu.memref_slice %arg3[%add3A_43, %dma_wait3A_56] : memref<10240x16xf32, #tpu.memory_space<hbm>> -> memref<128x16xf32, #tpu.memory_space<hbm>>
          tpu.wait_dma2 semaphore(%run_scoped3A : memref<!tpu.dma_semaphore, #tpu.memory_space<semaphore_mem>>) src(%arg6 : memref<128x16xf32, #tpu.memory_space<vmem>>) dst(%dma_wait3A_57 : memref<128x16xf32, #tpu.memory_space<hbm>>)
          tpu.yield
        }) : () -> ()
      } else {
      }
      %eq3A_46 = arith.constant 1 : i32
      %eq3A_47 = arith.cmpi eq, %arg0, %eq3A_46 : i32
      %convert_element_type3A_48 = arith.extui %eq3A_47 : i1 to i32
      %cond3A_49 = arith.constant 0 : i32
      %cond3A_50 = arith.cmpi ne, %convert_element_type3A_48, %cond3A_49 : i32
      scf.if %cond3A_50 {
        "tpu.region"() ({
          %run_scoped3A = tpu.sem_alloc : memref<!tpu.dma_semaphore, #tpu.memory_space<semaphore_mem>>
          %dma_start3A = arith.constant 0 : i32
          %dma_start3A_52 = tpu.memref_slice %arg4[%add3A_43, %dma_start3A] : memref<10240x16xf32, #tpu.memory_space<hbm>> -> memref<128x16xf32, #tpu.memory_space<hbm>>
          %dma_start3A_53 = arith.constant 0 : i32
          %dma_start3A_54 = tpu.memref_slice %arg4[%add3A_43, %dma_start3A_53] : memref<10240x16xf32, #tpu.memory_space<hbm>> -> memref<128x16xf32, #tpu.memory_space<hbm>>
          tpu.enqueue_dma source(%arg6 : memref<128x16xf32, #tpu.memory_space<vmem>>) target(%dma_start3A_54 : memref<128x16xf32, #tpu.memory_space<hbm>>) target_semaphore(%run_scoped3A : memref<!tpu.dma_semaphore, #tpu.memory_space<semaphore_mem>>)
          %dma_wait3A = arith.constant 0 : i32
          %dma_wait3A_55 = tpu.memref_slice %arg4[%add3A_43, %dma_wait3A] : memref<10240x16xf32, #tpu.memory_space<hbm>> -> memref<128x16xf32, #tpu.memory_space<hbm>>
          %dma_wait3A_56 = arith.constant 0 : i32
          %dma_wait3A_57 = tpu.memref_slice %arg4[%add3A_43, %dma_wait3A_56] : memref<10240x16xf32, #tpu.memory_space<hbm>> -> memref<128x16xf32, #tpu.memory_space<hbm>>
          tpu.wait_dma2 semaphore(%run_scoped3A : memref<!tpu.dma_semaphore, #tpu.memory_space<semaphore_mem>>) src(%arg6 : memref<128x16xf32, #tpu.memory_space<vmem>>) dst(%dma_wait3A_57 : memref<128x16xf32, #tpu.memory_space<hbm>>)
          tpu.yield
        }) : () -> ()
      } else {
      }
      %scan3A_51 = arith.constant 0 : i32
      scf.yield %scan3A_51 : i32
    }
    %scan3A_36 = arith.constant 5 : i32
    return
  }
}

#map = affine_map<(d0, d1) -> (0, 0)>
module attributes {stable_mosaic.version = 14 : i64} {
  func.func @_segsum_kernel(%arg0: i32, %arg1: i32, %arg2: memref<1280x128xi32, #tpu.memory_space<hbm>>, %arg3: memref<1280x128xi32, #tpu.memory_space<hbm>>, %arg4: memref<10000x128xf32, #tpu.memory_space<hbm>>, %arg5: memref<10000x128xf32, #tpu.memory_space<hbm>>, %arg6: memref<10240x128xf32, #tpu.memory_space<hbm>>, %arg7: memref<10240x128xf32, #tpu.memory_space<hbm>>, %arg8: memref<80x128xi32, #tpu.memory_space<vmem>>, %arg9: memref<80x128xi32, #tpu.memory_space<vmem>>, %arg10: memref<128x128xf32, #tpu.memory_space<vmem>>, %arg11: memref<10240x128xf32, #tpu.memory_space<vmem_shared>>) attributes {dimension_semantics = [#tpu.dimension_semantics<core_parallel>, #tpu.dimension_semantics<subcore_parallel>], iteration_bounds = array<i64: 2, 16>, scalar_prefetch = 0 : i64, scratch_operands = 4 : i64, tpu.core_type = #tpu.core_type<sc_vector_subcore>, window_params = [{transform_indices = #map}, {transform_indices = #map}, {transform_indices = #map}, {transform_indices = #map}, {transform_indices = #map}, {transform_indices = #map}]} {
    %scan3A = arith.constant 0 : i32
    %scan3A_0 = arith.constant 0 : i32
    %scan3A_1 = arith.constant 128 : i32
    %scan3A_2 = arith.addi %scan3A_0, %scan3A_1 : i32
    %scan3A_3 = arith.constant 1 : i32
    %scan3A_4 = scf.for %scan3A_32 = %scan3A_0 to %scan3A_2 step %scan3A_3 iter_args(%scan3A_33 = %scan3A) -> (i32)  : i32 {
      %scan3A_34 = arith.constant 0 : i32
      %scan3A_35 = arith.constant 0 : i32
      %scan3A_36 = arith.constant 8 : i32
      %scan3A_37 = arith.addi %scan3A_35, %scan3A_36 : i32
      %scan3A_38 = arith.constant 1 : i32
      %scan3A_39 = scf.for %scan3A_42 = %scan3A_35 to %scan3A_37 step %scan3A_38 iter_args(%scan3A_43 = %scan3A_34) -> (i32)  : i32 {
        %broadcast_in_dim3A = arith.constant 0.000000e+00 : f32
        %broadcast_in_dim3A_44 = vector.broadcast %broadcast_in_dim3A : f32 to vector<16xf32>
        %mul3A_45 = arith.constant 16 : i32
        %mul3A_46 = arith.muli %scan3A_42, %mul3A_45 : i32
        %swap3A = arith.index_cast %scan3A_32 : i32 to index
        %swap3A_47 = arith.index_cast %mul3A_46 : i32 to index
        %swap3A_48 = tpu.vector_load %arg10[%swap3A, %swap3A_47] {strides = array<i32>} : memref<128x128xf32, #tpu.memory_space<vmem>>, vector<1x16xf32>,
        %swap3A_49 = vector.shape_cast %swap3A_48 : vector<1x16xf32> to vector<16xf32>
        %swap3A_50 = vector.shape_cast %broadcast_in_dim3A_44 : vector<16xf32> to vector<1x16xf32>
        tpu.vector_store %arg10[%swap3A, %swap3A_47], %swap3A_50 {strides = array<i32>} : memref<128x128xf32, #tpu.memory_space<vmem>>, vector<1x16xf32>,
        %scan3A_51 = arith.constant 0 : i32
        scf.yield %scan3A_51 : i32
      }
      %scan3A_40 = arith.constant 8 : i32
      %scan3A_41 = arith.constant 0 : i32
      scf.yield %scan3A_41 : i32
    }
    %scan3A_5 = arith.constant 128 : i32
    %scan3A_6 = arith.constant 0 : i32
    %scan3A_7 = arith.constant 0 : i32
    %scan3A_8 = arith.constant 5 : i32
    %scan3A_9 = arith.addi %scan3A_7, %scan3A_8 : i32
    %scan3A_10 = arith.constant 1 : i32
    %scan3A_11 = scf.for %scan3A_32 = %scan3A_7 to %scan3A_9 step %scan3A_10 iter_args(%scan3A_33 = %scan3A_6) -> (i32)  : i32 {
      %mul3A_34 = arith.constant 640 : i32
      %mul3A_35 = arith.muli %arg1, %mul3A_34 : i32
      %mul3A_36 = arith.constant 128 : i32
      %mul3A_37 = arith.muli %scan3A_32, %mul3A_36 : i32
      %add3A = arith.addi %mul3A_35, %mul3A_37 : i32
      "tpu.region"() ({
        %run_scoped3A = tpu.sem_alloc : memref<!tpu.dma_semaphore, #tpu.memory_space<semaphore_mem>>
        %dma_start3A = arith.constant 0 : i32
        %dma_start3A_39 = tpu.memref_slice %arg11[%add3A, %dma_start3A] : memref<10240x128xf32, #tpu.memory_space<vmem_shared>> -> memref<128x128xf32, #tpu.memory_space<vmem_shared>>
        %dma_start3A_40 = arith.constant 0 : i32
        %dma_start3A_41 = tpu.memref_slice %arg11[%add3A, %dma_start3A_40] : memref<10240x128xf32, #tpu.memory_space<vmem_shared>> -> memref<128x128xf32, #tpu.memory_space<vmem_shared>>
        tpu.enqueue_dma source(%arg10 : memref<128x128xf32, #tpu.memory_space<vmem>>) target(%dma_start3A_41 : memref<128x128xf32, #tpu.memory_space<vmem_shared>>) target_semaphore(%run_scoped3A : memref<!tpu.dma_semaphore, #tpu.memory_space<semaphore_mem>>)
        %dma_wait3A = arith.constant 0 : i32
        %dma_wait3A_42 = tpu.memref_slice %arg11[%add3A, %dma_wait3A] : memref<10240x128xf32, #tpu.memory_space<vmem_shared>> -> memref<128x128xf32, #tpu.memory_space<vmem_shared>>
        %dma_wait3A_43 = arith.constant 0 : i32
        %dma_wait3A_44 = tpu.memref_slice %arg11[%add3A, %dma_wait3A_43] : memref<10240x128xf32, #tpu.memory_space<vmem_shared>> -> memref<128x128xf32, #tpu.memory_space<vmem_shared>>
        tpu.wait_dma2 semaphore(%run_scoped3A : memref<!tpu.dma_semaphore, #tpu.memory_space<semaphore_mem>>) src(%arg10 : memref<128x128xf32, #tpu.memory_space<vmem>>) dst(%dma_wait3A_44 : memref<128x128xf32, #tpu.memory_space<vmem_shared>>)
        tpu.yield
      }) : () -> ()
      %scan3A_38 = arith.constant 0 : i32
      scf.yield %scan3A_38 : i32
    }
    %scan3A_12 = arith.constant 5 : i32
    %barrier3A = arith.constant 0 : index
    tpu.barrier barrier_id(%barrier3A)
    %mul3A = arith.constant 80 : i32
    %mul3A_13 = arith.muli %arg1, %mul3A : i32
    "tpu.region"() ({
      %run_scoped3A = tpu.sem_alloc : memref<!tpu.dma_semaphore, #tpu.memory_space<semaphore_mem>>
      %dma_start3A = arith.constant 0 : i32
      %dma_start3A_32 = tpu.memref_slice %arg2[%mul3A_13, %dma_start3A] : memref<1280x128xi32, #tpu.memory_space<hbm>> -> memref<80x128xi32, #tpu.memory_space<hbm>>
      %dma_start3A_33 = arith.constant 0 : i32
      %dma_start3A_34 = tpu.memref_slice %arg2[%mul3A_13, %dma_start3A_33] : memref<1280x128xi32, #tpu.memory_space<hbm>> -> memref<80x128xi32, #tpu.memory_space<hbm>>
      tpu.enqueue_dma source(%dma_start3A_34 : memref<80x128xi32, #tpu.memory_space<hbm>>) target(%arg8 : memref<80x128xi32, #tpu.memory_space<vmem>>) target_semaphore(%run_scoped3A : memref<!tpu.dma_semaphore, #tpu.memory_space<semaphore_mem>>)
      %dma_wait3A = arith.constant 0 : i32
      %dma_wait3A_35 = tpu.memref_slice %arg2[%mul3A_13, %dma_wait3A] : memref<1280x128xi32, #tpu.memory_space<hbm>> -> memref<80x128xi32, #tpu.memory_space<hbm>>
      %dma_wait3A_36 = arith.constant 0 : i32
      %dma_wait3A_37 = tpu.memref_slice %arg2[%mul3A_13, %dma_wait3A_36] : memref<1280x128xi32, #tpu.memory_space<hbm>> -> memref<80x128xi32, #tpu.memory_space<hbm>>
      tpu.wait_dma2 semaphore(%run_scoped3A : memref<!tpu.dma_semaphore, #tpu.memory_space<semaphore_mem>>) src(%dma_wait3A_37 : memref<80x128xi32, #tpu.memory_space<hbm>>) dst(%arg8 : memref<80x128xi32, #tpu.memory_space<vmem>>)
      tpu.yield
    }) : () -> ()
    %mul3A_14 = arith.constant 80 : i32
    %mul3A_15 = arith.muli %arg1, %mul3A_14 : i32
    "tpu.region"() ({
      %run_scoped3A = tpu.sem_alloc : memref<!tpu.dma_semaphore, #tpu.memory_space<semaphore_mem>>
      %dma_start3A = arith.constant 0 : i32
      %dma_start3A_32 = tpu.memref_slice %arg3[%mul3A_15, %dma_start3A] : memref<1280x128xi32, #tpu.memory_space<hbm>> -> memref<80x128xi32, #tpu.memory_space<hbm>>
      %dma_start3A_33 = arith.constant 0 : i32
      %dma_start3A_34 = tpu.memref_slice %arg3[%mul3A_15, %dma_start3A_33] : memref<1280x128xi32, #tpu.memory_space<hbm>> -> memref<80x128xi32, #tpu.memory_space<hbm>>
      tpu.enqueue_dma source(%dma_start3A_34 : memref<80x128xi32, #tpu.memory_space<hbm>>) target(%arg9 : memref<80x128xi32, #tpu.memory_space<vmem>>) target_semaphore(%run_scoped3A : memref<!tpu.dma_semaphore, #tpu.memory_space<semaphore_mem>>)
      %dma_wait3A = arith.constant 0 : i32
      %dma_wait3A_35 = tpu.memref_slice %arg3[%mul3A_15, %dma_wait3A] : memref<1280x128xi32, #tpu.memory_space<hbm>> -> memref<80x128xi32, #tpu.memory_space<hbm>>
      %dma_wait3A_36 = arith.constant 0 : i32
      %dma_wait3A_37 = tpu.memref_slice %arg3[%mul3A_15, %dma_wait3A_36] : memref<1280x128xi32, #tpu.memory_space<hbm>> -> memref<80x128xi32, #tpu.memory_space<hbm>>
      tpu.wait_dma2 semaphore(%run_scoped3A : memref<!tpu.dma_semaphore, #tpu.memory_space<semaphore_mem>>) src(%dma_wait3A_37 : memref<80x128xi32, #tpu.memory_space<hbm>>) dst(%arg9 : memref<80x128xi32, #tpu.memory_space<vmem>>)
      tpu.yield
    }) : () -> ()
    %eq3A = arith.constant 0 : i32
    %eq3A_16 = arith.cmpi eq, %arg0, %eq3A : i32
    %convert_element_type3A = arith.extui %eq3A_16 : i1 to i32
    %cond3A = arith.constant 0 : i32
    %cond3A_17 = arith.cmpi ne, %convert_element_type3A, %cond3A : i32
    scf.if %cond3A_17 {
      %scan3A_32 = arith.constant 0 : i32
      %scan3A_33 = arith.constant 0 : i32
      %scan3A_34 = arith.constant 80 : i32
      %scan3A_35 = arith.addi %scan3A_33, %scan3A_34 : i32
      %scan3A_36 = arith.constant 1 : i32
      %scan3A_37 = scf.for %scan3A_39 = %scan3A_33 to %scan3A_35 step %scan3A_36 iter_args(%scan3A_40 = %scan3A_32) -> (i32)  : i32 {
        "tpu.region"() ({
          %run_scoped3A = tpu.sem_alloc : memref<!tpu.dma_semaphore, #tpu.memory_space<semaphore_mem>>
          %dma_start3A = arith.constant 0 : i32
          %dma_start3A_42 = tpu.memref_slice %arg8[%scan3A_39, %dma_start3A] : memref<80x128xi32, #tpu.memory_space<vmem>> -> memref<1x128xi32, #tpu.memory_space<vmem>>
          %dma_start3A_43 = tpu.memref_squeeze %dma_start3A_42 : memref<1x128xi32, #tpu.memory_space<vmem>> -> memref<128xi32, #tpu.memory_space<vmem>>
          %dma_start3A_44 = arith.constant 0 : i32
          %dma_start3A_45 = arith.constant 0 : i32
          %dma_start3A_46 = tpu.memref_slice %arg4[%dma_start3A_44, %dma_start3A_45] : memref<10000x128xf32, #tpu.memory_space<hbm>> -> memref<10000x128xf32, #tpu.memory_space<hbm>>
          tpu.enqueue_indirect_dma source(%dma_start3A_46 : memref<10000x128xf32, #tpu.memory_space<hbm>>) target(%arg10 : memref<128x128xf32, #tpu.memory_space<vmem>>) offsets(%dma_start3A_43 : memref<128xi32, #tpu.memory_space<vmem>>) semaphore(%run_scoped3A : memref<!tpu.dma_semaphore, #tpu.memory_space<semaphore_mem>>)
          %dma_wait3A = arith.constant 0 : i32
          %dma_wait3A_47 = tpu.memref_slice %arg8[%scan3A_39, %dma_wait3A] : memref<80x128xi32, #tpu.memory_space<vmem>> -> memref<1x128xi32, #tpu.memory_space<vmem>>
          %dma_wait3A_48 = tpu.memref_squeeze %dma_wait3A_47 : memref<1x128xi32, #tpu.memory_space<vmem>> -> memref<128xi32, #tpu.memory_space<vmem>>
          %dma_wait3A_49 = arith.constant 0 : i32
          %dma_wait3A_50 = arith.constant 0 : i32
          %dma_wait3A_51 = tpu.memref_slice %arg4[%dma_wait3A_49, %dma_wait3A_50] : memref<10000x128xf32, #tpu.memory_space<hbm>> -> memref<10000x128xf32, #tpu.memory_space<hbm>>
          tpu.wait_indirect_dma semaphore(%run_scoped3A : memref<!tpu.dma_semaphore, #tpu.memory_space<semaphore_mem>>) src(%dma_wait3A_51 : memref<10000x128xf32, #tpu.memory_space<hbm>>) dst(%arg10 : memref<128x128xf32, #tpu.memory_space<vmem>>)
          tpu.yield
        }) : () -> ()
        "tpu.region"() ({
          %run_scoped3A = tpu.sem_alloc : memref<!tpu.dma_semaphore, #tpu.memory_space<semaphore_mem>>
          %dma_start3A = arith.constant 0 : i32
          %dma_start3A_42 = tpu.memref_slice %arg9[%scan3A_39, %dma_start3A] : memref<80x128xi32, #tpu.memory_space<vmem>> -> memref<1x128xi32, #tpu.memory_space<vmem>>
          %dma_start3A_43 = tpu.memref_squeeze %dma_start3A_42 : memref<1x128xi32, #tpu.memory_space<vmem>> -> memref<128xi32, #tpu.memory_space<vmem>>
          %dma_start3A_44 = arith.constant 0 : i32
          %dma_start3A_45 = arith.constant 0 : i32
          %dma_start3A_46 = tpu.memref_slice %arg11[%dma_start3A_44, %dma_start3A_45] : memref<10240x128xf32, #tpu.memory_space<vmem_shared>> -> memref<10240x128xf32, #tpu.memory_space<vmem_shared>>
          tpu.enqueue_indirect_dma source(%arg10 : memref<128x128xf32, #tpu.memory_space<vmem>>) target(%dma_start3A_46 : memref<10240x128xf32, #tpu.memory_space<vmem_shared>>) offsets(%dma_start3A_43 : memref<128xi32, #tpu.memory_space<vmem>>) semaphore(%run_scoped3A : memref<!tpu.dma_semaphore, #tpu.memory_space<semaphore_mem>>) {add = true}
          %dma_wait3A = arith.constant 0 : i32
          %dma_wait3A_47 = tpu.memref_slice %arg9[%scan3A_39, %dma_wait3A] : memref<80x128xi32, #tpu.memory_space<vmem>> -> memref<1x128xi32, #tpu.memory_space<vmem>>
          %dma_wait3A_48 = tpu.memref_squeeze %dma_wait3A_47 : memref<1x128xi32, #tpu.memory_space<vmem>> -> memref<128xi32, #tpu.memory_space<vmem>>
          %dma_wait3A_49 = arith.constant 0 : i32
          %dma_wait3A_50 = arith.constant 0 : i32
          %dma_wait3A_51 = tpu.memref_slice %arg11[%dma_wait3A_49, %dma_wait3A_50] : memref<10240x128xf32, #tpu.memory_space<vmem_shared>> -> memref<10240x128xf32, #tpu.memory_space<vmem_shared>>
          tpu.wait_indirect_dma semaphore(%run_scoped3A : memref<!tpu.dma_semaphore, #tpu.memory_space<semaphore_mem>>) src(%arg10 : memref<128x128xf32, #tpu.memory_space<vmem>>) dst(%dma_wait3A_51 : memref<10240x128xf32, #tpu.memory_space<vmem_shared>>)
          tpu.yield
        }) : () -> ()
        %scan3A_41 = arith.constant 0 : i32
        scf.yield %scan3A_41 : i32
      }
      %scan3A_38 = arith.constant 80 : i32
    } else {
    }
    %eq3A_18 = arith.constant 1 : i32
    %eq3A_19 = arith.cmpi eq, %arg0, %eq3A_18 : i32
    %convert_element_type3A_20 = arith.extui %eq3A_19 : i1 to i32
    %cond3A_21 = arith.constant 0 : i32
    %cond3A_22 = arith.cmpi ne, %convert_element_type3A_20, %cond3A_21 : i32
    scf.if %cond3A_22 {
      %scan3A_32 = arith.constant 0 : i32
      %scan3A_33 = arith.constant 0 : i32
      %scan3A_34 = arith.constant 80 : i32
      %scan3A_35 = arith.addi %scan3A_33, %scan3A_34 : i32
      %scan3A_36 = arith.constant 1 : i32
      %scan3A_37 = scf.for %scan3A_39 = %scan3A_33 to %scan3A_35 step %scan3A_36 iter_args(%scan3A_40 = %scan3A_32) -> (i32)  : i32 {
        "tpu.region"() ({
          %run_scoped3A = tpu.sem_alloc : memref<!tpu.dma_semaphore, #tpu.memory_space<semaphore_mem>>
          %dma_start3A = arith.constant 0 : i32
          %dma_start3A_42 = tpu.memref_slice %arg8[%scan3A_39, %dma_start3A] : memref<80x128xi32, #tpu.memory_space<vmem>> -> memref<1x128xi32, #tpu.memory_space<vmem>>
          %dma_start3A_43 = tpu.memref_squeeze %dma_start3A_42 : memref<1x128xi32, #tpu.memory_space<vmem>> -> memref<128xi32, #tpu.memory_space<vmem>>
          %dma_start3A_44 = arith.constant 0 : i32
          %dma_start3A_45 = arith.constant 0 : i32
          %dma_start3A_46 = tpu.memref_slice %arg5[%dma_start3A_44, %dma_start3A_45] : memref<10000x128xf32, #tpu.memory_space<hbm>> -> memref<10000x128xf32, #tpu.memory_space<hbm>>
          tpu.enqueue_indirect_dma source(%dma_start3A_46 : memref<10000x128xf32, #tpu.memory_space<hbm>>) target(%arg10 : memref<128x128xf32, #tpu.memory_space<vmem>>) offsets(%dma_start3A_43 : memref<128xi32, #tpu.memory_space<vmem>>) semaphore(%run_scoped3A : memref<!tpu.dma_semaphore, #tpu.memory_space<semaphore_mem>>)
          %dma_wait3A = arith.constant 0 : i32
          %dma_wait3A_47 = tpu.memref_slice %arg8[%scan3A_39, %dma_wait3A] : memref<80x128xi32, #tpu.memory_space<vmem>> -> memref<1x128xi32, #tpu.memory_space<vmem>>
          %dma_wait3A_48 = tpu.memref_squeeze %dma_wait3A_47 : memref<1x128xi32, #tpu.memory_space<vmem>> -> memref<128xi32, #tpu.memory_space<vmem>>
          %dma_wait3A_49 = arith.constant 0 : i32
          %dma_wait3A_50 = arith.constant 0 : i32
          %dma_wait3A_51 = tpu.memref_slice %arg5[%dma_wait3A_49, %dma_wait3A_50] : memref<10000x128xf32, #tpu.memory_space<hbm>> -> memref<10000x128xf32, #tpu.memory_space<hbm>>
          tpu.wait_indirect_dma semaphore(%run_scoped3A : memref<!tpu.dma_semaphore, #tpu.memory_space<semaphore_mem>>) src(%dma_wait3A_51 : memref<10000x128xf32, #tpu.memory_space<hbm>>) dst(%arg10 : memref<128x128xf32, #tpu.memory_space<vmem>>)
          tpu.yield
        }) : () -> ()
        "tpu.region"() ({
          %run_scoped3A = tpu.sem_alloc : memref<!tpu.dma_semaphore, #tpu.memory_space<semaphore_mem>>
          %dma_start3A = arith.constant 0 : i32
          %dma_start3A_42 = tpu.memref_slice %arg9[%scan3A_39, %dma_start3A] : memref<80x128xi32, #tpu.memory_space<vmem>> -> memref<1x128xi32, #tpu.memory_space<vmem>>
          %dma_start3A_43 = tpu.memref_squeeze %dma_start3A_42 : memref<1x128xi32, #tpu.memory_space<vmem>> -> memref<128xi32, #tpu.memory_space<vmem>>
          %dma_start3A_44 = arith.constant 0 : i32
          %dma_start3A_45 = arith.constant 0 : i32
          %dma_start3A_46 = tpu.memref_slice %arg11[%dma_start3A_44, %dma_start3A_45] : memref<10240x128xf32, #tpu.memory_space<vmem_shared>> -> memref<10240x128xf32, #tpu.memory_space<vmem_shared>>
          tpu.enqueue_indirect_dma source(%arg10 : memref<128x128xf32, #tpu.memory_space<vmem>>) target(%dma_start3A_46 : memref<10240x128xf32, #tpu.memory_space<vmem_shared>>) offsets(%dma_start3A_43 : memref<128xi32, #tpu.memory_space<vmem>>) semaphore(%run_scoped3A : memref<!tpu.dma_semaphore, #tpu.memory_space<semaphore_mem>>) {add = true}
          %dma_wait3A = arith.constant 0 : i32
          %dma_wait3A_47 = tpu.memref_slice %arg9[%scan3A_39, %dma_wait3A] : memref<80x128xi32, #tpu.memory_space<vmem>> -> memref<1x128xi32, #tpu.memory_space<vmem>>
          %dma_wait3A_48 = tpu.memref_squeeze %dma_wait3A_47 : memref<1x128xi32, #tpu.memory_space<vmem>> -> memref<128xi32, #tpu.memory_space<vmem>>
          %dma_wait3A_49 = arith.constant 0 : i32
          %dma_wait3A_50 = arith.constant 0 : i32
          %dma_wait3A_51 = tpu.memref_slice %arg11[%dma_wait3A_49, %dma_wait3A_50] : memref<10240x128xf32, #tpu.memory_space<vmem_shared>> -> memref<10240x128xf32, #tpu.memory_space<vmem_shared>>
          tpu.wait_indirect_dma semaphore(%run_scoped3A : memref<!tpu.dma_semaphore, #tpu.memory_space<semaphore_mem>>) src(%arg10 : memref<128x128xf32, #tpu.memory_space<vmem>>) dst(%dma_wait3A_51 : memref<10240x128xf32, #tpu.memory_space<vmem_shared>>)
          tpu.yield
        }) : () -> ()
        %scan3A_41 = arith.constant 0 : i32
        scf.yield %scan3A_41 : i32
      }
      %scan3A_38 = arith.constant 80 : i32
    } else {
    }
    %barrier3A_23 = arith.constant 0 : index
    tpu.barrier barrier_id(%barrier3A_23)
    %barrier3A_24 = arith.constant 0 : index
    tpu.barrier barrier_id(%barrier3A_24)
    %scan3A_25 = arith.constant 0 : i32
    %scan3A_26 = arith.constant 0 : i32
    %scan3A_27 = arith.constant 5 : i32
    %scan3A_28 = arith.addi %scan3A_26, %scan3A_27 : i32
    %scan3A_29 = arith.constant 1 : i32
    %scan3A_30 = scf.for %scan3A_32 = %scan3A_26 to %scan3A_28 step %scan3A_29 iter_args(%scan3A_33 = %scan3A_25) -> (i32)  : i32 {
      %mul3A_34 = arith.constant 640 : i32
      %mul3A_35 = arith.muli %arg1, %mul3A_34 : i32
      %mul3A_36 = arith.constant 128 : i32
      %mul3A_37 = arith.muli %scan3A_32, %mul3A_36 : i32
      %add3A = arith.addi %mul3A_35, %mul3A_37 : i32
      "tpu.region"() ({
        %run_scoped3A = tpu.sem_alloc : memref<!tpu.dma_semaphore, #tpu.memory_space<semaphore_mem>>
        %dma_start3A = arith.constant 0 : i32
        %dma_start3A_49 = tpu.memref_slice %arg11[%add3A, %dma_start3A] : memref<10240x128xf32, #tpu.memory_space<vmem_shared>> -> memref<128x128xf32, #tpu.memory_space<vmem_shared>>
        %dma_start3A_50 = arith.constant 0 : i32
        %dma_start3A_51 = tpu.memref_slice %arg11[%add3A, %dma_start3A_50] : memref<10240x128xf32, #tpu.memory_space<vmem_shared>> -> memref<128x128xf32, #tpu.memory_space<vmem_shared>>
        tpu.enqueue_dma source(%dma_start3A_51 : memref<128x128xf32, #tpu.memory_space<vmem_shared>>) target(%arg10 : memref<128x128xf32, #tpu.memory_space<vmem>>) target_semaphore(%run_scoped3A : memref<!tpu.dma_semaphore, #tpu.memory_space<semaphore_mem>>)
        %dma_wait3A = arith.constant 0 : i32
        %dma_wait3A_52 = tpu.memref_slice %arg11[%add3A, %dma_wait3A] : memref<10240x128xf32, #tpu.memory_space<vmem_shared>> -> memref<128x128xf32, #tpu.memory_space<vmem_shared>>
        %dma_wait3A_53 = arith.constant 0 : i32
        %dma_wait3A_54 = tpu.memref_slice %arg11[%add3A, %dma_wait3A_53] : memref<10240x128xf32, #tpu.memory_space<vmem_shared>> -> memref<128x128xf32, #tpu.memory_space<vmem_shared>>
        tpu.wait_dma2 semaphore(%run_scoped3A : memref<!tpu.dma_semaphore, #tpu.memory_space<semaphore_mem>>) src(%dma_wait3A_54 : memref<128x128xf32, #tpu.memory_space<vmem_shared>>) dst(%arg10 : memref<128x128xf32, #tpu.memory_space<vmem>>)
        tpu.yield
      }) : () -> ()
      %eq3A_38 = arith.constant 0 : i32
      %eq3A_39 = arith.cmpi eq, %arg0, %eq3A_38 : i32
      %convert_element_type3A_40 = arith.extui %eq3A_39 : i1 to i32
      %cond3A_41 = arith.constant 0 : i32
      %cond3A_42 = arith.cmpi ne, %convert_element_type3A_40, %cond3A_41 : i32
      scf.if %cond3A_42 {
        "tpu.region"() ({
          %run_scoped3A = tpu.sem_alloc : memref<!tpu.dma_semaphore, #tpu.memory_space<semaphore_mem>>
          %dma_start3A = arith.constant 0 : i32
          %dma_start3A_49 = tpu.memref_slice %arg6[%add3A, %dma_start3A] : memref<10240x128xf32, #tpu.memory_space<hbm>> -> memref<128x128xf32, #tpu.memory_space<hbm>>
          %dma_start3A_50 = arith.constant 0 : i32
          %dma_start3A_51 = tpu.memref_slice %arg6[%add3A, %dma_start3A_50] : memref<10240x128xf32, #tpu.memory_space<hbm>> -> memref<128x128xf32, #tpu.memory_space<hbm>>
          tpu.enqueue_dma source(%arg10 : memref<128x128xf32, #tpu.memory_space<vmem>>) target(%dma_start3A_51 : memref<128x128xf32, #tpu.memory_space<hbm>>) target_semaphore(%run_scoped3A : memref<!tpu.dma_semaphore, #tpu.memory_space<semaphore_mem>>)
          %dma_wait3A = arith.constant 0 : i32
          %dma_wait3A_52 = tpu.memref_slice %arg6[%add3A, %dma_wait3A] : memref<10240x128xf32, #tpu.memory_space<hbm>> -> memref<128x128xf32, #tpu.memory_space<hbm>>
          %dma_wait3A_53 = arith.constant 0 : i32
          %dma_wait3A_54 = tpu.memref_slice %arg6[%add3A, %dma_wait3A_53] : memref<10240x128xf32, #tpu.memory_space<hbm>> -> memref<128x128xf32, #tpu.memory_space<hbm>>
          tpu.wait_dma2 semaphore(%run_scoped3A : memref<!tpu.dma_semaphore, #tpu.memory_space<semaphore_mem>>) src(%arg10 : memref<128x128xf32, #tpu.memory_space<vmem>>) dst(%dma_wait3A_54 : memref<128x128xf32, #tpu.memory_space<hbm>>)
          tpu.yield
        }) : () -> ()
      } else {
      }
      %eq3A_43 = arith.constant 1 : i32
      %eq3A_44 = arith.cmpi eq, %arg0, %eq3A_43 : i32
      %convert_element_type3A_45 = arith.extui %eq3A_44 : i1 to i32
      %cond3A_46 = arith.constant 0 : i32
      %cond3A_47 = arith.cmpi ne, %convert_element_type3A_45, %cond3A_46 : i32
      scf.if %cond3A_47 {
        "tpu.region"() ({
          %run_scoped3A = tpu.sem_alloc : memref<!tpu.dma_semaphore, #tpu.memory_space<semaphore_mem>>
          %dma_start3A = arith.constant 0 : i32
          %dma_start3A_49 = tpu.memref_slice %arg7[%add3A, %dma_start3A] : memref<10240x128xf32, #tpu.memory_space<hbm>> -> memref<128x128xf32, #tpu.memory_space<hbm>>
          %dma_start3A_50 = arith.constant 0 : i32
          %dma_start3A_51 = tpu.memref_slice %arg7[%add3A, %dma_start3A_50] : memref<10240x128xf32, #tpu.memory_space<hbm>> -> memref<128x128xf32, #tpu.memory_space<hbm>>
          tpu.enqueue_dma source(%arg10 : memref<128x128xf32, #tpu.memory_space<vmem>>) target(%dma_start3A_51 : memref<128x128xf32, #tpu.memory_space<hbm>>) target_semaphore(%run_scoped3A : memref<!tpu.dma_semaphore, #tpu.memory_space<semaphore_mem>>)
          %dma_wait3A = arith.constant 0 : i32
          %dma_wait3A_52 = tpu.memref_slice %arg7[%add3A, %dma_wait3A] : memref<10240x128xf32, #tpu.memory_space<hbm>> -> memref<128x128xf32, #tpu.memory_space<hbm>>
          %dma_wait3A_53 = arith.constant 0 : i32
          %dma_wait3A_54 = tpu.memref_slice %arg7[%add3A, %dma_wait3A_53] : memref<10240x128xf32, #tpu.memory_space<hbm>> -> memref<128x128xf32, #tpu.memory_space<hbm>>
          tpu.wait_dma2 semaphore(%run_scoped3A : memref<!tpu.dma_semaphore, #tpu.memory_space<semaphore_mem>>) src(%arg10 : memref<128x128xf32, #tpu.memory_space<vmem>>) dst(%dma_wait3A_54 : memref<128x128xf32, #tpu.memory_space<hbm>>)
          tpu.yield
        }) : () -> ()
      } else {
      }
      %scan3A_48 = arith.constant 0 : i32
      scf.yield %scan3A_48 : i32
    }
    %scan3A_31 = arith.constant 5 : i32
    return
  }
}

module attributes {stable_mosaic.version = 14 : i64} {
  func.func @_tc1_body(%arg0: i32, %arg1: memref<1000x256xf32, #tpu.memory_space<vmem>>, %arg2: memref<256x128xf32, #tpu.memory_space<vmem>>, %arg3: memref<256x128xf32, #tpu.memory_space<vmem>>, %arg4: memref<1000x16xf32, #tpu.memory_space<vmem>>, %arg5: memref<1000x16xf32, #tpu.memory_space<vmem>>, %arg6: memref<1000x128xf32, #tpu.memory_space<vmem>>, %arg7: memref<1000x128xf32, #tpu.memory_space<vmem>>) attributes {dimension_semantics = [#tpu.dimension_semantics<arbitrary>], iteration_bounds = array<i64: 10>, scalar_prefetch = 0 : i64, scratch_operands = 0 : i64, tpu.core_type = #tpu.core_type<tc>, window_params = [{transform_indices = @transform_0, window_bounds = array<i64: 1000, 256>}, {pipeline_mode = #tpu.pipeline_mode<synchronous>, transform_indices = @transform_1, window_bounds = array<i64: 256, 128>}, {pipeline_mode = #tpu.pipeline_mode<synchronous>, transform_indices = @transform_2, window_bounds = array<i64: 256, 128>}, {transform_indices = @transform_3, window_bounds = array<i64: 1000, 16>}, {transform_indices = @transform_4, window_bounds = array<i64: 1000, 16>}, {transform_indices = @transform_5, window_bounds = array<i64: 1000, 128>}, {transform_indices = @transform_6, window_bounds = array<i64: 1000, 128>}]} {
    %get3A = arith.constant 0 : index
    %get3A_0 = arith.constant 0 : index
    %get3A_1 = vector.load %arg4[%get3A, %get3A_0] : memref<1000x16xf32, #tpu.memory_space<vmem>>, vector<1000x1xf32>
    %get3A_2 = arith.constant 0 : index
    %get3A_3 = arith.constant 0 : index
    %get3A_4 = vector.load %arg5[%get3A_2, %get3A_3] : memref<1000x16xf32, #tpu.memory_space<vmem>>, vector<1000x1xf32>
    %add3A = arith.addf %get3A_1, %get3A_4 : vector<1000x1xf32>
    %add3A_5 = arith.constant 1.000000e+00 : f32
    %add3A_6 = vector.broadcast %add3A_5 : f32 to vector<1000x1xf32>
    %add3A_7 = arith.addf %add3A, %add3A_6 : vector<1000x1xf32>
    %rsqrt3A = math.rsqrt %add3A_7 : vector<1000x1xf32>
    %get3A_8 = arith.constant 0 : index
    %get3A_9 = arith.constant 0 : index
    %get3A_10 = vector.load %arg1[%get3A_8, %get3A_9] : memref<1000x256xf32, #tpu.memory_space<vmem>>, vector<1000x256xf32>
    %get3A_11 = arith.constant 0 : index
    %get3A_12 = arith.constant 0 : index
    %get3A_13 = vector.load %arg2[%get3A_11, %get3A_12] : memref<256x128xf32, #tpu.memory_space<vmem>>, vector<256x128xf32>
    %dot_general3A = arith.constant dense<0.000000e+00> : vector<1000x128xf32>
    %dot_general3A_14 = tpu.matmul %get3A_10, %get3A_13, %dot_general3A {dimension_numbers = #tpu.dot_dimension_numbers<[1], [0], [0], [1], [0, 0, 1, 1], [], []>, precision = #tpu.contract_precision<fp32>, transpose_lhs_hint = false} : vector<1000x256xf32>, vector<256x128xf32>, vector<1000x128xf32> -> vector<1000x128xf32>
    %mul3A = vector.broadcast %rsqrt3A : vector<1000x1xf32> to vector<1000x128xf32>
    %mul3A_15 = arith.mulf %dot_general3A_14, %mul3A : vector<1000x128xf32>
    %swap3A = arith.constant 0 : index
    %swap3A_16 = arith.constant 0 : index
    %swap3A_17 = vector.load %arg6[%swap3A, %swap3A_16] : memref<1000x128xf32, #tpu.memory_space<vmem>>, vector<1000x128xf32>
    tpu.vector_store %arg6[%swap3A, %swap3A_16], %mul3A_15 {strides = array<i32>} : memref<1000x128xf32, #tpu.memory_space<vmem>>, vector<1000x128xf32>,
    %get3A_18 = arith.constant 0 : index
    %get3A_19 = arith.constant 0 : index
    %get3A_20 = vector.load %arg3[%get3A_18, %get3A_19] : memref<256x128xf32, #tpu.memory_space<vmem>>, vector<256x128xf32>
    %dot_general3A_21 = arith.constant dense<0.000000e+00> : vector<1000x128xf32>
    %dot_general3A_22 = tpu.matmul %get3A_10, %get3A_20, %dot_general3A_21 {dimension_numbers = #tpu.dot_dimension_numbers<[1], [0], [0], [1], [0, 0, 1, 1], [], []>, precision = #tpu.contract_precision<fp32>, transpose_lhs_hint = false} : vector<1000x256xf32>, vector<256x128xf32>, vector<1000x128xf32> -> vector<1000x128xf32>
    %mul3A_23 = vector.broadcast %rsqrt3A : vector<1000x1xf32> to vector<1000x128xf32>
    %mul3A_24 = arith.mulf %dot_general3A_22, %mul3A_23 : vector<1000x128xf32>
    %swap3A_25 = arith.constant 0 : index
    %swap3A_26 = arith.constant 0 : index
    %swap3A_27 = vector.load %arg7[%swap3A_25, %swap3A_26] : memref<1000x128xf32, #tpu.memory_space<vmem>>, vector<1000x128xf32>
    tpu.vector_store %arg7[%swap3A_25, %swap3A_26], %mul3A_24 {strides = array<i32>} : memref<1000x128xf32, #tpu.memory_space<vmem>>, vector<1000x128xf32>,
    return
  }
  func.func @transform_0(%arg0: i32) -> (i32, i32) {
    %c0_i32 = arith.constant 0 : i32
    %c0_i32_0 = arith.constant 0 : i32
    return %arg0, %c0_i32 : i32, i32
  }
  func.func @transform_1(%arg0: i32) -> (i32, i32) {
    %c0_i32 = arith.constant 0 : i32
    %c0_i32_0 = arith.constant 0 : i32
    %c0_i32_1 = arith.constant 0 : i32
    return %c0_i32, %c0_i32_0 : i32, i32
  }
  func.func @transform_2(%arg0: i32) -> (i32, i32) {
    %c0_i32 = arith.constant 0 : i32
    %c0_i32_0 = arith.constant 0 : i32
    %c0_i32_1 = arith.constant 0 : i32
    return %c0_i32, %c0_i32_0 : i32, i32
  }
  func.func @transform_3(%arg0: i32) -> (i32, i32) {
    %c0_i32 = arith.constant 0 : i32
    %c0_i32_0 = arith.constant 0 : i32
    return %arg0, %c0_i32 : i32, i32
  }
  func.func @transform_4(%arg0: i32) -> (i32, i32) {
    %c0_i32 = arith.constant 0 : i32
    %c0_i32_0 = arith.constant 0 : i32
    return %arg0, %c0_i32 : i32, i32
  }
  func.func @transform_5(%arg0: i32) -> (i32, i32) {
    %c0_i32 = arith.constant 0 : i32
    %c0_i32_0 = arith.constant 0 : i32
    return %arg0, %c0_i32 : i32, i32
  }
  func.func @transform_6(%arg0: i32) -> (i32, i32) {
    %c0_i32 = arith.constant 0 : i32
    %c0_i32_0 = arith.constant 0 : i32
    return %arg0, %c0_i32 : i32, i32
  }
}

module attributes {stable_mosaic.version = 14 : i64} {
  func.func @_tc2a_body(%arg0: i32, %arg1: memref<1000x128xf32, #tpu.memory_space<vmem>>, %arg2: memref<1000x128xf32, #tpu.memory_space<vmem>>, %arg3: memref<1000x128xf32, #tpu.memory_space<vmem>>, %arg4: memref<1000x128xf32, #tpu.memory_space<vmem>>, %arg5: memref<1000x16xf32, #tpu.memory_space<vmem>>, %arg6: memref<1000x16xf32, #tpu.memory_space<vmem>>, %arg7: memref<1x128xf32, #tpu.memory_space<vmem>>, %arg8: memref<1x128xf32, #tpu.memory_space<vmem>>, %arg9: memref<1000x256xf32, #tpu.memory_space<vmem>>, %arg10: memref<1x128xf32, #tpu.memory_space<vmem>>, %arg11: memref<1x128xf32, #tpu.memory_space<vmem>>, %arg12: memref<1x128xf32, #tpu.memory_space<vmem>>, %arg13: memref<1x128xf32, #tpu.memory_space<vmem>>) attributes {dimension_semantics = [#tpu.dimension_semantics<arbitrary>], iteration_bounds = array<i64: 10>, scalar_prefetch = 0 : i64, scratch_operands = 0 : i64, tpu.core_type = #tpu.core_type<tc>, window_params = [{transform_indices = @transform_0, window_bounds = array<i64: 1000, 128>}, {transform_indices = @transform_1, window_bounds = array<i64: 1000, 128>}, {transform_indices = @transform_2, window_bounds = array<i64: 1000, 128>}, {transform_indices = @transform_3, window_bounds = array<i64: 1000, 128>}, {transform_indices = @transform_4, window_bounds = array<i64: 1000, 16>}, {transform_indices = @transform_5, window_bounds = array<i64: 1000, 16>}, {pipeline_mode = #tpu.pipeline_mode<synchronous>, transform_indices = @transform_6, window_bounds = array<i64: 1, 128>}, {pipeline_mode = #tpu.pipeline_mode<synchronous>, transform_indices = @transform_7, window_bounds = array<i64: 1, 128>}, {transform_indices = @transform_8, window_bounds = array<i64: 1000, 256>}, {pipeline_mode = #tpu.pipeline_mode<synchronous>, transform_indices = @transform_9, window_bounds = array<i64: 1, 128>}, {pipeline_mode = #tpu.pipeline_mode<synchronous>, transform_indices = @transform_10, window_bounds = array<i64: 1, 128>}, {pipeline_mode = #tpu.pipeline_mode<synchronous>, transform_indices = @transform_11, window_bounds = array<i64: 1, 128>}, {pipeline_mode = #tpu.pipeline_mode<synchronous>, transform_indices = @transform_12, window_bounds = array<i64: 1, 128>}]} {
    %get3A = arith.constant 0 : index
    %get3A_0 = arith.constant 0 : index
    %get3A_1 = vector.load %arg5[%get3A, %get3A_0] : memref<1000x16xf32, #tpu.memory_space<vmem>>, vector<1000x1xf32>
    %get3A_2 = arith.constant 0 : index
    %get3A_3 = arith.constant 0 : index
    %get3A_4 = vector.load %arg6[%get3A_2, %get3A_3] : memref<1000x16xf32, #tpu.memory_space<vmem>>, vector<1000x1xf32>
    %add3A = arith.addf %get3A_1, %get3A_4 : vector<1000x1xf32>
    %add3A_5 = arith.constant 1.000000e+00 : f32
    %add3A_6 = vector.broadcast %add3A_5 : f32 to vector<1000x1xf32>
    %add3A_7 = arith.addf %add3A, %add3A_6 : vector<1000x1xf32>
    %rsqrt3A = math.rsqrt %add3A_7 : vector<1000x1xf32>
    %get3A_8 = arith.constant 0 : index
    %get3A_9 = arith.constant 0 : index
    %get3A_10 = vector.load %arg1[%get3A_8, %get3A_9] : memref<1000x128xf32, #tpu.memory_space<vmem>>, vector<1000x128xf32>
    %get3A_11 = arith.constant 0 : index
    %get3A_12 = arith.constant 0 : index
    %get3A_13 = vector.load %arg3[%get3A_11, %get3A_12] : memref<1000x128xf32, #tpu.memory_space<vmem>>, vector<1000x128xf32>
    %add3A_14 = arith.addf %get3A_10, %get3A_13 : vector<1000x128xf32>
    %mul3A = vector.broadcast %rsqrt3A : vector<1000x1xf32> to vector<1000x128xf32>
    %mul3A_15 = arith.mulf %mul3A, %add3A_14 : vector<1000x128xf32>
    %get3A_16 = arith.constant 0 : index
    %get3A_17 = arith.constant 0 : index
    %get3A_18 = vector.load %arg7[%get3A_16, %get3A_17] : memref<1x128xf32, #tpu.memory_space<vmem>>, vector<1x128xf32>
    %add3A_19 = vector.broadcast %get3A_18 : vector<1x128xf32> to vector<1000x128xf32>
    %add3A_20 = arith.addf %mul3A_15, %add3A_19 : vector<1000x128xf32>
    %get3A_21 = arith.constant 0 : index
    %get3A_22 = arith.constant 0 : index
    %get3A_23 = vector.load %arg2[%get3A_21, %get3A_22] : memref<1000x128xf32, #tpu.memory_space<vmem>>, vector<1000x128xf32>
    %get3A_24 = arith.constant 0 : index
    %get3A_25 = arith.constant 0 : index
    %get3A_26 = vector.load %arg4[%get3A_24, %get3A_25] : memref<1000x128xf32, #tpu.memory_space<vmem>>, vector<1000x128xf32>
    %add3A_27 = arith.addf %get3A_23, %get3A_26 : vector<1000x128xf32>
    %mul3A_28 = vector.broadcast %rsqrt3A : vector<1000x1xf32> to vector<1000x128xf32>
    %mul3A_29 = arith.mulf %mul3A_28, %add3A_27 : vector<1000x128xf32>
    %get3A_30 = arith.constant 0 : index
    %get3A_31 = arith.constant 0 : index
    %get3A_32 = vector.load %arg8[%get3A_30, %get3A_31] : memref<1x128xf32, #tpu.memory_space<vmem>>, vector<1x128xf32>
    %add3A_33 = vector.broadcast %get3A_32 : vector<1x128xf32> to vector<1000x128xf32>
    %add3A_34 = arith.addf %mul3A_29, %add3A_33 : vector<1000x128xf32>
    %ge3A = arith.constant 0.000000e+00 : f32
    %ge3A_35 = vector.broadcast %ge3A : f32 to vector<1000x128xf32>
    %ge3A_36 = arith.cmpf oge, %add3A_20, %ge3A_35 : vector<1000x128xf32>
    %mul3A_37 = arith.constant 0.00999999977 : f32
    %mul3A_38 = vector.broadcast %mul3A_37 : f32 to vector<1000x128xf32>
    %mul3A_39 = arith.mulf %mul3A_38, %add3A_20 : vector<1000x128xf32>
    %select_n3A = arith.select %ge3A_36, %add3A_20, %mul3A_39 : vector<1000x128xi1>, vector<1000x128xf32>
    %ge3A_40 = arith.constant 0.000000e+00 : f32
    %ge3A_41 = vector.broadcast %ge3A_40 : f32 to vector<1000x128xf32>
    %ge3A_42 = arith.cmpf oge, %add3A_34, %ge3A_41 : vector<1000x128xf32>
    %mul3A_43 = arith.constant 0.00999999977 : f32
    %mul3A_44 = vector.broadcast %mul3A_43 : f32 to vector<1000x128xf32>
    %mul3A_45 = arith.mulf %mul3A_44, %add3A_34 : vector<1000x128xf32>
    %select_n3A_46 = arith.select %ge3A_42, %add3A_34, %mul3A_45 : vector<1000x128xi1>, vector<1000x128xf32>
    %swap3A = arith.constant 0 : index
    %swap3A_47 = arith.constant 0 : index
    %swap3A_48 = vector.load %arg9[%swap3A, %swap3A_47] : memref<1000x256xf32, #tpu.memory_space<vmem>>, vector<1000x128xf32>
    tpu.vector_store %arg9[%swap3A, %swap3A_47], %select_n3A {strides = array<i32>} : memref<1000x256xf32, #tpu.memory_space<vmem>>, vector<1000x128xf32>,
    %swap3A_49 = arith.constant 0 : index
    %swap3A_50 = arith.constant 128 : index
    %swap3A_51 = vector.load %arg9[%swap3A_49, %swap3A_50] : memref<1000x256xf32, #tpu.memory_space<vmem>>, vector<1000x128xf32>
    tpu.vector_store %arg9[%swap3A_49, %swap3A_50], %select_n3A_46 {strides = array<i32>} : memref<1000x256xf32, #tpu.memory_space<vmem>>, vector<1000x128xf32>,
    %eq3A = arith.constant 0 : i32
    %eq3A_52 = arith.cmpi eq, %arg0, %eq3A : i32
    %convert_element_type3A = arith.extui %eq3A_52 : i1 to i32
    %cond3A = arith.constant 0 : i32
    %cond3A_53 = arith.cmpi ne, %convert_element_type3A, %cond3A : i32
    scf.if %cond3A_53 {
      %broadcast_in_dim3A_94 = arith.constant 0.000000e+00 : f32
      %broadcast_in_dim3A_95 = vector.broadcast %broadcast_in_dim3A_94 : f32 to vector<1x128xf32>
      %swap3A_96 = arith.constant 0 : index
      %swap3A_97 = arith.constant 0 : index
      %swap3A_98 = vector.load %arg10[%swap3A_96, %swap3A_97] : memref<1x128xf32, #tpu.memory_space<vmem>>, vector<1x128xf32>
      tpu.vector_store %arg10[%swap3A_96, %swap3A_97], %broadcast_in_dim3A_95 {strides = array<i32>} : memref<1x128xf32, #tpu.memory_space<vmem>>, vector<1x128xf32>,
      %broadcast_in_dim3A_99 = arith.constant 0.000000e+00 : f32
      %broadcast_in_dim3A_100 = vector.broadcast %broadcast_in_dim3A_99 : f32 to vector<1x128xf32>
      %swap3A_101 = arith.constant 0 : index
      %swap3A_102 = arith.constant 0 : index
      %swap3A_103 = vector.load %arg11[%swap3A_101, %swap3A_102] : memref<1x128xf32, #tpu.memory_space<vmem>>, vector<1x128xf32>
      tpu.vector_store %arg11[%swap3A_101, %swap3A_102], %broadcast_in_dim3A_100 {strides = array<i32>} : memref<1x128xf32, #tpu.memory_space<vmem>>, vector<1x128xf32>,
      %broadcast_in_dim3A_104 = arith.constant 0.000000e+00 : f32
      %broadcast_in_dim3A_105 = vector.broadcast %broadcast_in_dim3A_104 : f32 to vector<1x128xf32>
      %swap3A_106 = arith.constant 0 : index
      %swap3A_107 = arith.constant 0 : index
      %swap3A_108 = vector.load %arg12[%swap3A_106, %swap3A_107] : memref<1x128xf32, #tpu.memory_space<vmem>>, vector<1x128xf32>
      tpu.vector_store %arg12[%swap3A_106, %swap3A_107], %broadcast_in_dim3A_105 {strides = array<i32>} : memref<1x128xf32, #tpu.memory_space<vmem>>, vector<1x128xf32>,
      %broadcast_in_dim3A_109 = arith.constant 0.000000e+00 : f32
      %broadcast_in_dim3A_110 = vector.broadcast %broadcast_in_dim3A_109 : f32 to vector<1x128xf32>
      %swap3A_111 = arith.constant 0 : index
      %swap3A_112 = arith.constant 0 : index
      %swap3A_113 = vector.load %arg13[%swap3A_111, %swap3A_112] : memref<1x128xf32, #tpu.memory_space<vmem>>, vector<1x128xf32>
      tpu.vector_store %arg13[%swap3A_111, %swap3A_112], %broadcast_in_dim3A_110 {strides = array<i32>} : memref<1x128xf32, #tpu.memory_space<vmem>>, vector<1x128xf32>,
    } else {
    }
    %get3A_54 = arith.constant 0 : index
    %get3A_55 = arith.constant 0 : index
    %get3A_56 = vector.load %arg10[%get3A_54, %get3A_55] : memref<1x128xf32, #tpu.memory_space<vmem>>, vector<1x128xf32>
    %reduce_sum3A = arith.constant dense<0.000000e+00> : vector<128xf32>
    %reduce_sum3A_57 = vector.multi_reduction <add>, %select_n3A, %reduce_sum3A [0] : vector<1000x128xf32> to vector<128xf32>
    %broadcast_in_dim3A = vector.shape_cast %reduce_sum3A_57 : vector<128xf32> to vector<1x128xf32>
    %add3A_58 = arith.addf %get3A_56, %broadcast_in_dim3A : vector<1x128xf32>
    %swap3A_59 = arith.constant 0 : index
    %swap3A_60 = arith.constant 0 : index
    %swap3A_61 = vector.load %arg10[%swap3A_59, %swap3A_60] : memref<1x128xf32, #tpu.memory_space<vmem>>, vector<1x128xf32>
    tpu.vector_store %arg10[%swap3A_59, %swap3A_60], %add3A_58 {strides = array<i32>} : memref<1x128xf32, #tpu.memory_space<vmem>>, vector<1x128xf32>,
    %get3A_62 = arith.constant 0 : index
    %get3A_63 = arith.constant 0 : index
    %get3A_64 = vector.load %arg11[%get3A_62, %get3A_63] : memref<1x128xf32, #tpu.memory_space<vmem>>, vector<1x128xf32>
    %mul3A_65 = arith.mulf %select_n3A, %select_n3A : vector<1000x128xf32>
    %reduce_sum3A_66 = arith.constant dense<0.000000e+00> : vector<128xf32>
    %reduce_sum3A_67 = vector.multi_reduction <add>, %mul3A_65, %reduce_sum3A_66 [0] : vector<1000x128xf32> to vector<128xf32>
    %broadcast_in_dim3A_68 = vector.shape_cast %reduce_sum3A_67 : vector<128xf32> to vector<1x128xf32>
    %add3A_69 = arith.addf %get3A_64, %broadcast_in_dim3A_68 : vector<1x128xf32>
    %swap3A_70 = arith.constant 0 : index
    %swap3A_71 = arith.constant 0 : index
    %swap3A_72 = vector.load %arg11[%swap3A_70, %swap3A_71] : memref<1x128xf32, #tpu.memory_space<vmem>>, vector<1x128xf32>
    tpu.vector_store %arg11[%swap3A_70, %swap3A_71], %add3A_69 {strides = array<i32>} : memref<1x128xf32, #tpu.memory_space<vmem>>, vector<1x128xf32>,
    %get3A_73 = arith.constant 0 : index
    %get3A_74 = arith.constant 0 : index
    %get3A_75 = vector.load %arg12[%get3A_73, %get3A_74] : memref<1x128xf32, #tpu.memory_space<vmem>>, vector<1x128xf32>
    %reduce_sum3A_76 = arith.constant dense<0.000000e+00> : vector<128xf32>
    %reduce_sum3A_77 = vector.multi_reduction <add>, %select_n3A_46, %reduce_sum3A_76 [0] : vector<1000x128xf32> to vector<128xf32>
    %broadcast_in_dim3A_78 = vector.shape_cast %reduce_sum3A_77 : vector<128xf32> to vector<1x128xf32>
    %add3A_79 = arith.addf %get3A_75, %broadcast_in_dim3A_78 : vector<1x128xf32>
    %swap3A_80 = arith.constant 0 : index
    %swap3A_81 = arith.constant 0 : index
    %swap3A_82 = vector.load %arg12[%swap3A_80, %swap3A_81] : memref<1x128xf32, #tpu.memory_space<vmem>>, vector<1x128xf32>
    tpu.vector_store %arg12[%swap3A_80, %swap3A_81], %add3A_79 {strides = array<i32>} : memref<1x128xf32, #tpu.memory_space<vmem>>, vector<1x128xf32>,
    %get3A_83 = arith.constant 0 : index
    %get3A_84 = arith.constant 0 : index
    %get3A_85 = vector.load %arg13[%get3A_83, %get3A_84] : memref<1x128xf32, #tpu.memory_space<vmem>>, vector<1x128xf32>
    %mul3A_86 = arith.mulf %select_n3A_46, %select_n3A_46 : vector<1000x128xf32>
    %reduce_sum3A_87 = arith.constant dense<0.000000e+00> : vector<128xf32>
    %reduce_sum3A_88 = vector.multi_reduction <add>, %mul3A_86, %reduce_sum3A_87 [0] : vector<1000x128xf32> to vector<128xf32>
    %broadcast_in_dim3A_89 = vector.shape_cast %reduce_sum3A_88 : vector<128xf32> to vector<1x128xf32>
    %add3A_90 = arith.addf %get3A_85, %broadcast_in_dim3A_89 : vector<1x128xf32>
    %swap3A_91 = arith.constant 0 : index
    %swap3A_92 = arith.constant 0 : index
    %swap3A_93 = vector.load %arg13[%swap3A_91, %swap3A_92] : memref<1x128xf32, #tpu.memory_space<vmem>>, vector<1x128xf32>
    tpu.vector_store %arg13[%swap3A_91, %swap3A_92], %add3A_90 {strides = array<i32>} : memref<1x128xf32, #tpu.memory_space<vmem>>, vector<1x128xf32>,
    return
  }
  func.func @transform_0(%arg0: i32) -> (i32, i32) {
    %c0_i32 = arith.constant 0 : i32
    %c0_i32_0 = arith.constant 0 : i32
    return %arg0, %c0_i32 : i32, i32
  }
  func.func @transform_1(%arg0: i32) -> (i32, i32) {
    %c0_i32 = arith.constant 0 : i32
    %c0_i32_0 = arith.constant 0 : i32
    return %arg0, %c0_i32 : i32, i32
  }
  func.func @transform_2(%arg0: i32) -> (i32, i32) {
    %c0_i32 = arith.constant 0 : i32
    %c0_i32_0 = arith.constant 0 : i32
    return %arg0, %c0_i32 : i32, i32
  }
  func.func @transform_3(%arg0: i32) -> (i32, i32) {
    %c0_i32 = arith.constant 0 : i32
    %c0_i32_0 = arith.constant 0 : i32
    return %arg0, %c0_i32 : i32, i32
  }
  func.func @transform_4(%arg0: i32) -> (i32, i32) {
    %c0_i32 = arith.constant 0 : i32
    %c0_i32_0 = arith.constant 0 : i32
    return %arg0, %c0_i32 : i32, i32
  }
  func.func @transform_5(%arg0: i32) -> (i32, i32) {
    %c0_i32 = arith.constant 0 : i32
    %c0_i32_0 = arith.constant 0 : i32
    return %arg0, %c0_i32 : i32, i32
  }
  func.func @transform_6(%arg0: i32) -> (i32, i32) {
    %c0_i32 = arith.constant 0 : i32
    %c0_i32_0 = arith.constant 0 : i32
    %c0_i32_1 = arith.constant 0 : i32
    return %c0_i32, %c0_i32_0 : i32, i32
  }
  func.func @transform_7(%arg0: i32) -> (i32, i32) {
    %c0_i32 = arith.constant 0 : i32
    %c0_i32_0 = arith.constant 0 : i32
    %c0_i32_1 = arith.constant 0 : i32
    return %c0_i32, %c0_i32_0 : i32, i32
  }
  func.func @transform_8(%arg0: i32) -> (i32, i32) {
    %c0_i32 = arith.constant 0 : i32
    %c0_i32_0 = arith.constant 0 : i32
    return %arg0, %c0_i32 : i32, i32
  }
  func.func @transform_9(%arg0: i32) -> (i32, i32) {
    %c0_i32 = arith.constant 0 : i32
    %c0_i32_0 = arith.constant 0 : i32
    %c0_i32_1 = arith.constant 0 : i32
    return %c0_i32, %c0_i32_0 : i32, i32
  }
  func.func @transform_10(%arg0: i32) -> (i32, i32) {
    %c0_i32 = arith.constant 0 : i32
    %c0_i32_0 = arith.constant 0 : i32
    %c0_i32_1 = arith.constant 0 : i32
    return %c0_i32, %c0_i32_0 : i32, i32
  }
  func.func @transform_11(%arg0: i32) -> (i32, i32) {
    %c0_i32 = arith.constant 0 : i32
    %c0_i32_0 = arith.constant 0 : i32
    %c0_i32_1 = arith.constant 0 : i32
    return %c0_i32, %c0_i32_0 : i32, i32
  }
  func.func @transform_12(%arg0: i32) -> (i32, i32) {
    %c0_i32 = arith.constant 0 : i32
    %c0_i32_0 = arith.constant 0 : i32
    %c0_i32_1 = arith.constant 0 : i32
    return %c0_i32, %c0_i32_0 : i32, i32
  }
}

module attributes {stable_mosaic.version = 14 : i64} {
  func.func @_tc2b_body(%arg0: i32, %arg1: memref<1000x256xf32, #tpu.memory_space<vmem>>, %arg2: memref<1x128xf32, #tpu.memory_space<vmem>>, %arg3: memref<1x128xf32, #tpu.memory_space<vmem>>, %arg4: memref<1x128xf32, #tpu.memory_space<vmem>>, %arg5: memref<1x128xf32, #tpu.memory_space<vmem>>, %arg6: memref<1x128xf32, #tpu.memory_space<vmem>>, %arg7: memref<1x128xf32, #tpu.memory_space<vmem>>, %arg8: memref<1x128xf32, #tpu.memory_space<vmem>>, %arg9: memref<1x128xf32, #tpu.memory_space<vmem>>, %arg10: memref<1000x256xf32, #tpu.memory_space<vmem>>) attributes {dimension_semantics = [#tpu.dimension_semantics<arbitrary>], iteration_bounds = array<i64: 10>, scalar_prefetch = 0 : i64, scratch_operands = 0 : i64, tpu.core_type = #tpu.core_type<tc>, window_params = [{transform_indices = @transform_0, window_bounds = array<i64: 1000, 256>}, {pipeline_mode = #tpu.pipeline_mode<synchronous>, transform_indices = @transform_1, window_bounds = array<i64: 1, 128>}, {pipeline_mode = #tpu.pipeline_mode<synchronous>, transform_indices = @transform_2, window_bounds = array<i64: 1, 128>}, {pipeline_mode = #tpu.pipeline_mode<synchronous>, transform_indices = @transform_3, window_bounds = array<i64: 1, 128>}, {pipeline_mode = #tpu.pipeline_mode<synchronous>, transform_indices = @transform_4, window_bounds = array<i64: 1, 128>}, {pipeline_mode = #tpu.pipeline_mode<synchronous>, transform_indices = @transform_5, window_bounds = array<i64: 1, 128>}, {pipeline_mode = #tpu.pipeline_mode<synchronous>, transform_indices = @transform_6, window_bounds = array<i64: 1, 128>}, {pipeline_mode = #tpu.pipeline_mode<synchronous>, transform_indices = @transform_7, window_bounds = array<i64: 1, 128>}, {pipeline_mode = #tpu.pipeline_mode<synchronous>, transform_indices = @transform_8, window_bounds = array<i64: 1, 128>}, {transform_indices = @transform_9, window_bounds = array<i64: 1000, 256>}]} {
    %get3A = arith.constant 0 : index
    %get3A_0 = arith.constant 0 : index
    %get3A_1 = vector.load %arg2[%get3A, %get3A_0] : memref<1x128xf32, #tpu.memory_space<vmem>>, vector<1x128xf32>
    %div3A = arith.constant 1.000000e+04 : f32
    %div3A_2 = vector.broadcast %div3A : f32 to vector<1x128xf32>
    %div3A_3 = arith.divf %get3A_1, %div3A_2 : vector<1x128xf32>
    %get3A_4 = arith.constant 0 : index
    %get3A_5 = arith.constant 0 : index
    %get3A_6 = vector.load %arg4[%get3A_4, %get3A_5] : memref<1x128xf32, #tpu.memory_space<vmem>>, vector<1x128xf32>
    %div3A_7 = arith.constant 1.000000e+04 : f32
    %div3A_8 = vector.broadcast %div3A_7 : f32 to vector<1x128xf32>
    %div3A_9 = arith.divf %get3A_6, %div3A_8 : vector<1x128xf32>
    %get3A_10 = arith.constant 0 : index
    %get3A_11 = arith.constant 0 : index
    %get3A_12 = vector.load %arg3[%get3A_10, %get3A_11] : memref<1x128xf32, #tpu.memory_space<vmem>>, vector<1x128xf32>
    %div3A_13 = arith.constant 1.000000e+04 : f32
    %div3A_14 = vector.broadcast %div3A_13 : f32 to vector<1x128xf32>
    %div3A_15 = arith.divf %get3A_12, %div3A_14 : vector<1x128xf32>
    %mul3A = arith.mulf %div3A_3, %div3A_3 : vector<1x128xf32>
    %sub3A = arith.subf %div3A_15, %mul3A : vector<1x128xf32>
    %get3A_16 = arith.constant 0 : index
    %get3A_17 = arith.constant 0 : index
    %get3A_18 = vector.load %arg5[%get3A_16, %get3A_17] : memref<1x128xf32, #tpu.memory_space<vmem>>, vector<1x128xf32>
    %div3A_19 = arith.constant 1.000000e+04 : f32
    %div3A_20 = vector.broadcast %div3A_19 : f32 to vector<1x128xf32>
    %div3A_21 = arith.divf %get3A_18, %div3A_20 : vector<1x128xf32>
    %mul3A_22 = arith.mulf %div3A_9, %div3A_9 : vector<1x128xf32>
    %sub3A_23 = arith.subf %div3A_21, %mul3A_22 : vector<1x128xf32>
    %get3A_24 = arith.constant 0 : index
    %get3A_25 = arith.constant 0 : index
    %get3A_26 = vector.load %arg6[%get3A_24, %get3A_25] : memref<1x128xf32, #tpu.memory_space<vmem>>, vector<1x128xf32>
    %add3A = arith.constant 9.99999974E-6 : f32
    %add3A_27 = vector.broadcast %add3A : f32 to vector<1x128xf32>
    %add3A_28 = arith.addf %sub3A, %add3A_27 : vector<1x128xf32>
    %rsqrt3A = math.rsqrt %add3A_28 : vector<1x128xf32>
    %mul3A_29 = arith.mulf %get3A_26, %rsqrt3A : vector<1x128xf32>
    %get3A_30 = arith.constant 0 : index
    %get3A_31 = arith.constant 0 : index
    %get3A_32 = vector.load %arg7[%get3A_30, %get3A_31] : memref<1x128xf32, #tpu.memory_space<vmem>>, vector<1x128xf32>
    %add3A_33 = arith.constant 9.99999974E-6 : f32
    %add3A_34 = vector.broadcast %add3A_33 : f32 to vector<1x128xf32>
    %add3A_35 = arith.addf %sub3A_23, %add3A_34 : vector<1x128xf32>
    %rsqrt3A_36 = math.rsqrt %add3A_35 : vector<1x128xf32>
    %mul3A_37 = arith.mulf %get3A_32, %rsqrt3A_36 : vector<1x128xf32>
    %get3A_38 = arith.constant 0 : index
    %get3A_39 = arith.constant 0 : index
    %get3A_40 = vector.load %arg1[%get3A_38, %get3A_39] : memref<1000x256xf32, #tpu.memory_space<vmem>>, vector<1000x128xf32>
    %mul3A_41 = vector.broadcast %mul3A_29 : vector<1x128xf32> to vector<1000x128xf32>
    %mul3A_42 = arith.mulf %get3A_40, %mul3A_41 : vector<1000x128xf32>
    %get3A_43 = arith.constant 0 : index
    %get3A_44 = arith.constant 0 : index
    %get3A_45 = vector.load %arg8[%get3A_43, %get3A_44] : memref<1x128xf32, #tpu.memory_space<vmem>>, vector<1x128xf32>
    %mul3A_46 = arith.mulf %div3A_3, %mul3A_29 : vector<1x128xf32>
    %sub3A_47 = arith.subf %get3A_45, %mul3A_46 : vector<1x128xf32>
    %add3A_48 = vector.broadcast %sub3A_47 : vector<1x128xf32> to vector<1000x128xf32>
    %add3A_49 = arith.addf %mul3A_42, %add3A_48 : vector<1000x128xf32>
    %swap3A = arith.constant 0 : index
    %swap3A_50 = arith.constant 0 : index
    %swap3A_51 = vector.load %arg10[%swap3A, %swap3A_50] : memref<1000x256xf32, #tpu.memory_space<vmem>>, vector<1000x128xf32>
    tpu.vector_store %arg10[%swap3A, %swap3A_50], %add3A_49 {strides = array<i32>} : memref<1000x256xf32, #tpu.memory_space<vmem>>, vector<1000x128xf32>,
    %get3A_52 = arith.constant 0 : index
    %get3A_53 = arith.constant 128 : index
    %get3A_54 = vector.load %arg1[%get3A_52, %get3A_53] : memref<1000x256xf32, #tpu.memory_space<vmem>>, vector<1000x128xf32>
    %mul3A_55 = vector.broadcast %mul3A_37 : vector<1x128xf32> to vector<1000x128xf32>
    %mul3A_56 = arith.mulf %get3A_54, %mul3A_55 : vector<1000x128xf32>
    %get3A_57 = arith.constant 0 : index
    %get3A_58 = arith.constant 0 : index
    %get3A_59 = vector.load %arg9[%get3A_57, %get3A_58] : memref<1x128xf32, #tpu.memory_space<vmem>>, vector<1x128xf32>
    %mul3A_60 = arith.mulf %div3A_9, %mul3A_37 : vector<1x128xf32>
    %sub3A_61 = arith.subf %get3A_59, %mul3A_60 : vector<1x128xf32>
    %add3A_62 = vector.broadcast %sub3A_61 : vector<1x128xf32> to vector<1000x128xf32>
    %add3A_63 = arith.addf %mul3A_56, %add3A_62 : vector<1000x128xf32>
    %swap3A_64 = arith.constant 0 : index
    %swap3A_65 = arith.constant 128 : index
    %swap3A_66 = vector.load %arg10[%swap3A_64, %swap3A_65] : memref<1000x256xf32, #tpu.memory_space<vmem>>, vector<1000x128xf32>
    tpu.vector_store %arg10[%swap3A_64, %swap3A_65], %add3A_63 {strides = array<i32>} : memref<1000x256xf32, #tpu.memory_space<vmem>>, vector<1000x128xf32>,
    return
  }
  func.func @transform_0(%arg0: i32) -> (i32, i32) {
    %c0_i32 = arith.constant 0 : i32
    %c0_i32_0 = arith.constant 0 : i32
    return %arg0, %c0_i32 : i32, i32
  }
  func.func @transform_1(%arg0: i32) -> (i32, i32) {
    %c0_i32 = arith.constant 0 : i32
    %c0_i32_0 = arith.constant 0 : i32
    %c0_i32_1 = arith.constant 0 : i32
    return %c0_i32, %c0_i32_0 : i32, i32
  }
  func.func @transform_2(%arg0: i32) -> (i32, i32) {
    %c0_i32 = arith.constant 0 : i32
    %c0_i32_0 = arith.constant 0 : i32
    %c0_i32_1 = arith.constant 0 : i32
    return %c0_i32, %c0_i32_0 : i32, i32
  }
  func.func @transform_3(%arg0: i32) -> (i32, i32) {
    %c0_i32 = arith.constant 0 : i32
    %c0_i32_0 = arith.constant 0 : i32
    %c0_i32_1 = arith.constant 0 : i32
    return %c0_i32, %c0_i32_0 : i32, i32
  }
  func.func @transform_4(%arg0: i32) -> (i32, i32) {
    %c0_i32 = arith.constant 0 : i32
    %c0_i32_0 = arith.constant 0 : i32
    %c0_i32_1 = arith.constant 0 : i32
    return %c0_i32, %c0_i32_0 : i32, i32
  }
  func.func @transform_5(%arg0: i32) -> (i32, i32) {
    %c0_i32 = arith.constant 0 : i32
    %c0_i32_0 = arith.constant 0 : i32
    %c0_i32_1 = arith.constant 0 : i32
    return %c0_i32, %c0_i32_0 : i32, i32
  }
  func.func @transform_6(%arg0: i32) -> (i32, i32) {
    %c0_i32 = arith.constant 0 : i32
    %c0_i32_0 = arith.constant 0 : i32
    %c0_i32_1 = arith.constant 0 : i32
    return %c0_i32, %c0_i32_0 : i32, i32
  }
  func.func @transform_7(%arg0: i32) -> (i32, i32) {
    %c0_i32 = arith.constant 0 : i32
    %c0_i32_0 = arith.constant 0 : i32
    %c0_i32_1 = arith.constant 0 : i32
    return %c0_i32, %c0_i32_0 : i32, i32
  }
  func.func @transform_8(%arg0: i32) -> (i32, i32) {
    %c0_i32 = arith.constant 0 : i32
    %c0_i32_0 = arith.constant 0 : i32
    %c0_i32_1 = arith.constant 0 : i32
    return %c0_i32, %c0_i32_0 : i32, i32
  }
  func.func @transform_9(%arg0: i32) -> (i32, i32) {
    %c0_i32 = arith.constant 0 : i32
    %c0_i32_0 = arith.constant 0 : i32
    return %arg0, %c0_i32 : i32, i32
  }
}

</mosaic_0001>

<sc_bundles>
// kernel: kernel.10.cloned.1.call-start
scs
__scs_entry_jumppad:
0x0: {  	(pc) =	sbr.rel $0x88, $3  }
0x1: {  	(tag) =	ssettag $0x0;
	lr =	simm.s32 $0x1  }
0x2: {  	[smem:$0x3F9B] =	sst lr;
	_ =	strace $0xD0000000  }
0x3: {  	_ = 	snop  }
0x4: {  	_ = 	snop  }
0x5: {  	_ = 	snop  }
0x6: {  	_ = 	snop  }
0x7: {  	_ = 	snop  }
__scs_overlays_trampoline_lowered:
0x8: {  	[smem:$0x3FAA] =	sst s0  }
0x9: {  	[smem:$0x3FAB] =	sst s1  }
0xa: {  	[smem:$0x3FAC] =	sst s2  }
0xb: {  	[smem:$0x3FAD] =	sst s3  }
0xc: {  	[smem:$0x3FAE] =	sst s4  }
0xd: {  	[smem:$0x3FAF] =	sst s5  }
0xe: {  	[smem:$0x3FB0] =	sst s6  }
0xf: {  	[smem:$0x3FB1] =	sst s7  }
0x10: {  	[smem:$0x3FB2] =	sst s8  }
0x11: {  	[smem:$0x3FB3] =	sst s9;
	s0 =	simm.s32 @!p0 $0x0  }
0x12: {  	s1 =	sld [smem:$0x3F99];
	s0 =	simm.s32 @p0 $0x1  }
0x13: {  	[smem:$0x3FB4] =	sst s0;
	s0 =	simm.s32 @!p1 $0x0  }
0x14: {  	s2 =	sld [smem:$0x3F98];
	s0 =	simm.s32 @p1 $0x1  }
0x15: {  	[smem:$0x3FB5] =	sst s0;
	s0 =	simm.s32 @!p2 $0x0  }
0x16: {  	s3 =	sld [smem:$0x3FDB];
	s0 =	simm.s32 @p2 $0x1  }
0x17: {  	s4 =	simm.s32 $0x1BF5;
	[smem:$0x3FB7] =	sst s0  }
0x18: {  	s0 =	sld [smem:$0x3F9A];
	_ =	swait.ge [sflag:s4], $0x0  }
0x19: {  	s7 =	sld [smem:$0x3F9B]  }
0x1a: {  	s8 =	sadd.s32 $0xFFFFE003, lr  }
0x1b: {  	s9 =	sadd.s32 $0xFFFFFEF7, lr;
	s5 =	simm.s32 $0xFFFFFFFF;
	p2 =	slt.u32 s8, $0xFFFFF086  }
0x1c: {  	p1 =	slt.u32 s9, $0xF7A;
	s5 =	simm.s32 @!p2 $0x0  }
0x1d: {  	s5 =	simm.s32 @p1 $0x1;
	p0 =	seq.s32 s7, s2  }
0x1e: {  	s7 =	smul.u32 @!p0 $0xF7A, s2;
	p2 =	seq.s32 @!p0 s5, $0x0  }
0x1f: {  	s9 =	smul.u32 $0xF7A, s1;
	s8 =	simm.s32 @!p0 $0x1BF5;
	p2 =	por !p2, p0  }
0x20: {  	[sflag:s8] =	ssyncset.s32 @!p0 $0xFFFFF086;
	s6 =	sadd.s32 @!p0 s3, s7;
	s7 =	simm.s32 @!p0 $0x108  }
0x21: {  	s3 =	sadd.s32 s3, s9;
	s6 =	sadd.s32 @!p0 $0x88, s6;
	s7 =	simm.s32 @p2 $0x1082  }
0x22: {  	[simem:s7], [sflag:s8] =	dma.local @!p0 [hbm:s6], $0xF7A  }
0x23: {  	s9 =	sor.u32 $0xD0000000, s2;
	s6 =	simm.s32 $0x108;
	_ =	swait.ge @!p0 [sflag:s8], $0x0  }
0x24: {  	s3 =	sadd.s32 $0x88, s3;
	s6 =	simm.s32 @!p1 $0x1082;
	[sflag:s4] =	ssyncset.s32 $0xFFFFF086  }
0x25: {  	[simem:s6], [sflag:s4] =	dma.local [hbm:s3], $0xF7A  }
0x26: {  	[smem:$0x3F9B] =	sst s1;
	(tag) =	ssettag s2;
	_ =	strace s9  }
0x27: {  	s1 =	sld [smem:$0x3FAB]  }
0x28: {  	s2 =	sld [smem:$0x3FAC]  }
0x29: {  	s4 =	sld [smem:$0x3FAE]  }
0x2a: {  	p0 =	seq.s32 s5, $0x0;
	s5 =	sld [smem:$0x3FAF]  }
0x2b: {  	s6 =	sld [smem:$0x3FB0]  }
0x2c: {  	s7 =	sld [smem:$0x3FB1]  }
0x2d: {  	s3 =	simm.s32 $0x108;
	s8 =	sld [smem:$0x3FB2]  }
0x2e: {  	s3 =	simm.s32 @!p0 $0x1082;
	s9 =	sld [smem:$0x3FB3]  }
0x2f: {  	lr =	sadd.s32 s0, s3;
	s0 =	sld [smem:$0x3FAA]  }
0x30: {  	s3 =	sld [smem:$0x3FAD]  }
0x31: {  	[smem:$0x3FB6] =	sst s10  }
0x32: {  	s10 =	sld [smem:$0x3FB4];
	_ =	sdelay $0x3  }
0x33: {  	p0 =	seq.s32 s10, $0x1;
	s10 =	sld [smem:$0x3FB6];
	_ =	sdelay $0x3  }
0x34: {  	[smem:$0x3FB6] =	sst s10  }
0x35: {  	s10 =	sld [smem:$0x3FB5];
	_ =	sdelay $0x3  }
0x36: {  	p1 =	seq.s32 s10, $0x1;
	s10 =	sld [smem:$0x3FB6];
	_ =	sdelay $0x3  }
0x37: {  	[smem:$0x3FB6] =	sst s10  }
0x38: {  	s10 =	sld [smem:$0x3FB7]  }
0x39: {  	_ = 	snop;
	(pc) =	sbr.ind lr, $3  }
0x3a: {  	_ = 	snop  }
0x3b: {  	_ = 	snop  }
0x3c: {  	p2 =	seq.s32 s10, $0x1;
	s10 =	sld [smem:$0x3FB6]  }
0x3d: {  	_ =	shalt  }
0x3e: {  	_ =	shalt  }
0x3f: {  	_ =	shalt  }
0x40: {  	_ =	shalt  }
0x41: {  	_ =	shalt  }
0x42: {  	_ =	shalt  }
0x43: {  	_ =	shalt  }
0x44: {  	_ =	shalt  }
0x45: {  	_ =	shalt  }
0x46: {  	_ =	shalt  }
0x47: {  	_ =	shalt  }
0x48: {  	_ =	shalt  }
0x49: {  	_ =	shalt  }
0x4a: {  	_ =	shalt  }
0x4b: {  	_ =	shalt  }
0x4c: {  	_ =	shalt  }
0x4d: {  	_ =	shalt  }
0x4e: {  	_ =	shalt  }
0x4f: {  	_ =	shalt  }
0x50: {  	_ =	shalt  }
0x51: {  	_ =	shalt  }
0x52: {  	_ =	shalt  }
0x53: {  	_ =	shalt  }
0x54: {  	_ =	shalt  }
0x55: {  	_ =	shalt  }
0x56: {  	_ =	shalt  }
0x57: {  	_ =	shalt  }
0x58: {  	_ =	shalt  }
0x59: {  	_ =	shalt  }
0x5a: {  	_ =	shalt  }
0x5b: {  	_ =	shalt  }
0x5c: {  	_ =	shalt  }
0x5d: {  	_ =	shalt  }
0x5e: {  	_ =	shalt  }
0x5f: {  	_ =	shalt  }
0x60: {  	_ =	shalt  }
0x61: {  	_ =	shalt  }
0x62: {  	_ =	shalt  }
0x63: {  	_ =	shalt  }
0x64: {  	_ =	shalt  }
0x65: {  	_ =	shalt  }
0x66: {  	_ =	shalt  }
0x67: {  	_ =	shalt  }
0x68: {  	_ =	shalt  }
0x69: {  	_ =	shalt  }
0x6a: {  	_ =	shalt  }
0x6b: {  	_ =	shalt  }
0x6c: {  	_ =	shalt  }
0x6d: {  	_ =	shalt  }
0x6e: {  	_ =	shalt  }
0x6f: {  	_ =	shalt  }
0x70: {  	_ =	shalt  }
0x71: {  	_ =	shalt  }
0x72: {  	_ =	shalt  }
0x73: {  	_ =	shalt  }
0x74: {  	_ =	shalt  }
0x75: {  	_ =	shalt  }
0x76: {  	_ =	shalt  }
0x77: {  	_ =	shalt  }
0x78: {  	_ =	shalt  }
0x79: {  	_ =	shalt  }
0x7a: {  	_ =	shalt  }
0x7b: {  	_ =	shalt  }
0x7c: {  	_ =	shalt  }
0x7d: {  	_ =	shalt  }
0x7e: {  	_ =	shalt  }
0x7f: {  	_ =	shalt  }
0x80: {  	_ =	shalt  }
0x81: {  	_ =	shalt  }
0x82: {  	_ =	shalt  }
0x83: {  	_ =	shalt  }
0x84: {  	_ =	shalt  }
0x85: {  	_ =	shalt  }
0x86: {  	_ =	shalt  }
0x87: {  	_ =	shalt  }
.Lfunc_end0:
.L_simem_size_0:
called_computation.1_lowered:
.L_overlay_start_0:
0x88: {  	s2 =	sld [smem:$0x3FD9]  }
0x89: {  	s3 =	sld [smem:$0x3FFE];
	_ =	sdelay $0x1  }
0x8a: {  	s1 =	srdreg.scid  }
0x8b: {  	s0 =	sand.u32 $0x1, s1  }
0x8c: {  	s17 =	sshll.u32 s0, $0xA;
	s2 =	sadd.s32 s3, s2  }
0x8d: {  	s2 =	sadd.s32 s2, s17  }
0x8e: {  	[smem:$0x3FC2] =	sst s2  }
0x8f: {  	_ = 	snop  }
0x90: {  	s2 =	sld [smem:$0x3FD0];
	(tm) =	ssettm $0x1  }
0x91: {  	s18 =	sld [smem:$0x3FFB];
	_ =	sdelay $0x3  }
0x92: {  	_ =	strace s18  }
0x93: {  	s3 =	sld [smem:$0x3FFC];
	_ =	sdelay $0x3  }
0x94: {  	_ =	strace s3  }
0x95: {  	s3 =	sld [smem:$0x3FFD];
	_ =	sdelay $0x3  }
0x96: {  	_ =	strace s3  }
0x97: {  	_ =	strace $0x8FFFFFFF  }
0x98: {  	s19 =	sld [smem:$0x3FDB];
	_ =	sdelay $0x1  }
0x99: {  	s4 =	simm.s32 $_scs_section_size  }
0x9a: {  	s5 =	simm.s32 $_size__tile_overlayer_lowered;
	s6 =	simm.s32 $_tile_overlayer_lowered  }
0x9b: {  	s22 =	simm.s32 $0x1BFF;
	s21 =	sshll.u32 s6, $0x1;
	s3 =	sadd.s32 s4, s19  }
0x9c: {  	s7 =	simm.s32 $0x0;
	s20 =	sshll.u32 s5, $0x1;
	s5 =	sadd.s32 s21, s3  }
0x9d: {  	[timem:s7], [sflag:s22] =	dma.local [hbm:s5], s20  }
0x9e: {  	_ =	swait.ge [sflag:s22], s20  }
0x9f: {  	s4 =	ssub.s32 $0x0, s20;
	[sflag:s22] =	ssyncset.done $0x0  }
0xa0: {  	[sflag:s22] =	ssyncadd.s32 s4;
	_ =	sdelay $0x1  }
0xa1: {  	s23 =	simm.s32 $0x1B8B  }
0xa2: {  	_ =	swait.ge [sflag:s23], $0x1  }
0xa3: {  	[sflag:s23] =	ssyncset.done $0x0  }
0xa4: {  	s25 =	simm.s32 $0x1B8E;
	s24 =	sld [smem:$0x3FFE];
	[sflag:s23] =	ssyncadd.s32 $0xFFFFFFFF  }
0xa5: {  	s26 =	simm.s32 $execute0_lowered;
	[smem:$0x3FD2] =	sst s25  }
0xa6: {  	s5 =	sshll.u32 s26, $0x1;
	_ =	strace $0x80000049;
	[dreg:$0x1] =	wrdreg $0xFFFFFFFF  }
0xa7: {  	s28 =	simm.s32 $_size_execute0_lowered;
	s3 =	sadd.s32 s3, s5;
	[dreg:$0x0] =	wrdreg $0x0  }
0xa8: {  	s5 =	sshll.u32 s28, $0x1;
	[dreg:$0x2] =	wrdreg s3  }
0xa9: {  	[dreg:$0x3] =	wrdreg s5  }
0xaa: {  	[dreg:$0x4] =	wrdreg $0xC0  }
0xab: {  	_ =	task [dreg:s7], $0x5FFFF  }
0xac: {  	[dreg:$0x1] =	wrdreg $0xFFFFFFFF  }
0xad: {  	[dreg:$0x0] =	wrdreg $0x60  }
0xae: {  	[dreg:$0x2] =	wrdreg s24  }
0xaf: {  	[dreg:$0x3] =	wrdreg s2  }
0xb0: {  	[dreg:$0x4] =	wrdreg $0x90000  }
0xb1: {  	[dreg:$0x5] =	wrdreg $0x9  }
0xb2: {  	_ =	task.clear_ibuf [dreg:s7], $0x6FFFF;
	_ =	strace $0x90000049  }
0xb3: {  	s29 =	simm.s32 $0x9;
	_ =	strace $0x8000004B  }
0xb4: {  	_ =	swait.ge [sflag:s29], $0x1  }
0xb5: {  	[sflag:s29] =	ssyncadd.s32 $0xFFFFFFFF  }
0xb6: {  	_ =	strace $0x9000004B  }
0xb7: {  	_ =	sfence  }
0xb8: {  	s30 =	sld [smem:$0x0];
	_ =	sdelay $0x2  }
0xb9: {  	s31 =	sshll.u32 s1, $0xD;
	s1 =	sshrl.u32 s1, $0x2  }
0xba: {  	s3 =	sand.u32 $0x4000, s31;
	s1 =	sadd.s32 s1, s30  }
0xbb: {  	s0 =	sor.u32 s3, s0;
	s1 =	sshll.u32 s1, $0x11  }
0xbc: {  	s0 =	sor.u32 s1, s0  }
0xbd: {  	s0 =	sadd.s32 $0x8F2B, s0  }
0xbe: {  	[sflag:s0] =	ssyncadd.remote.s32 $0x1  }
0xbf: {  	_ =	sfence.sel $0xFFFF  }
0xc0: {  	[dreg:$0x0] =	wrdreg $0xFFFFFFFF;
	(pc) =	sbr.abs _section_cstart, $3  }
0xc1: {  	[dreg:$0x1] =	wrdreg $0xFFFFFFFF  }
0xc2: {  	_ =	task.clear_ibuf [dreg:s7], $0x2FFFF;
	_ =	strace $0x9FFFFFFF  }
0xc3: {  	(tm) =	ssettm $0x7FFFFFFF  }
tec
execute0_lowered:
.L_overlay_start_1:
0x0: {  	(tag) =	ssettag $0x1  }
0x1: {  	s1 =	rddreg [dreg:$0x0]  }
0x2: {  	s3 =	rddreg [dreg:$0x2];
	s4 =	simm.s32 $0x0  }
0x3: {  	s0 =	stileid.u32;
	s5 =	srdreg.scid;
	s28 =	simm.s32 $0x2800  }
0x4: {  	s29 =	simm.s32 $0x80;
	s30 =	simm.s32 $0x2;
	s2 =	smul.u32 $0x500, s0  }
0x5: {  	s31 =	simm.s32 $0x0;
	[smem:$0x7FF] =	sst s4;
	s7 =	smul.u32 $0x50000, s0  }
0x6: {  	s25 =	sand.u32 $0x1, s5;
	s5 =	sadd.s32 $0x5CE00, s1;
	s22 =	smul.u32 $0x280, s0  }
0x7: {  	s6 =	sadd.s32 $0x84000, s1;
	s16 =	smul.u32 $0x2800, s0;
	_ =	strace $0x8000004A  }
0x8: {  	s8 =	ssub.s32 $0x2, s25;
	p0 =	sne.s32 s25, $0x0;
	p1 =	seq.s32 s25, $0x0  }
0x9: {  	s25 =	simm.s32 $0x5000;
	s2 =	sadd.s32 s2, s1;
	s9 =	sshrl.u32 s8, $0x1  }
0xa: {  	s10 =	sshrl.u32 s7, $0x2;
	s1 =	sadd.s32 $0xAB200, s1;
	s23 =	sadd.s32 $0x80, s22  }
0xb: {  	s20 =	sadd.s32 $0x100, s22;
	s26 =	sadd.s32 $0x180, s22;
	[dreg:$0x4] =	wrdreg s1  }
0xc: {  	s21 =	ssub.s32 s8, s9;
	s8 =	sadd.s32 s10, s3;
	s9 =	sadd.s32 $0x57E00, s2  }
0xd: {  	s10 =	sadd.s32 $0x2E00, s2;
	s17 =	sshll.u32 s23, $0x7;
	s18 =	sshll.u32 s23, $0x4  }
0xe: {  	s24 =	sshll.u32 s20, $0x7;
	s2 =	sadd.s32 $0x200, s22;
	s20 =	sshll.u32 s20, $0x4  }
.Ltmp0:
0xf: {  	s22 =	sshll.u32 s26, $0x4;
	s11 =	smax.u32 s21, $0x1;
	(pc) =	sbr.rel .LBB2_1-.Ltmp0, $4  }
0x10: {  	s12 =	sadd.s32 $0x4000, s8;
	s13 =	sadd.s32 $0x8000, s8;
	s14 =	sadd.s32 $0xC000, s8  }
0x11: {  	s15 =	sadd.s32 $0x10000, s8;
	s17 =	sadd.s32 s17, s3;
	s19 =	sadd.s32 s24, s3  }
0x12: {  	s21 =	sshll.u32 s26, $0x7;
	s23 =	sshll.u32 s2, $0x7;
	s24 =	sshll.u32 s2, $0x4  }
0x13: {  	v0 =	vimm.f32 $0.0e+00;
	s26 =	simm.s32 $0x1;
	s21 =	sadd.s32 s21, s3;
	s23 =	sadd.s32 s23, s3  }
.LBB2_9:
0x14: {  	s0 =	sshra.s32 s1, $0x2;
	[sflag:s26] =	ssyncadd.s32 $0xFFFFC000  }
0x15: {  	[tilespmem:s25], [sflag:$0x1] =	stream.indirect.gather [hbm4b:s6+s29], $0x80, s0, s29, $0xb8;
	[tilespmem:$0x1D000] =	vst v63  }
0x16: {  	_ =	swait.ge [sflag:s26], $0x4000  }
0x17: {  	[sflag:s26] =	ssyncset.done $0x0  }
0x18: {  	s0 =	sadd.s32 $0x2800, s0;
	[sflag:s26] =	ssyncadd.s32 $0xFFFFC000  }
0x19: {  	[spmem:s3] =	stream.indirect.scatter.add.f32 [tilespmem:s25], [sflag:$0x1], $0x80, s0, s29, $0xb8;
	[tilespmem:$0x1D000] =	vst v63  }
0x1a: {  	_ =	swait.ge [sflag:s26], $0x4000  }
0x1b: {  	[sflag:s26] =	ssyncset.done $0x0  }
0x1c: {  	s1 =	rddreg [dreg:$0x4];
	[sflag:s26] =	ssyncadd.s32 $0xFFFFC000  }
.LBB2_10:
0x1d: {  	[bflag:$0x0] =	sbarrier.arrive $0xFFFF  }
0x1e: {  	[bflag:$0x0] =	sbarrier.arrive $0xFFFF  }
0x1f: {  	[tilespmem:s25], [sflag:$0x2] =	stream.linear.gather [spmem:s8], $0x4000, $0x38;
	[tilespmem:$0x1D000] =	vst v63  }
0x20: {  	_ =	swait.ge [sflag:s30], $0x4000  }
0x21: {  	s0 =	simm.s32 $0x2;
	[sflag:s30] =	ssyncset.done $0x0  }
0x22: {  	s2 =	sadd.s32 s1, s16;
	s0 =	simm.s32 @!p1 $0x1;
	[sflag:s30] =	ssyncadd.s32 $0xFFFFC000  }
0x23: {  	[hbm4b:s2+s4] =	stream.linear.scatter [tilespmem:s25], [sflag:s0], $0x4000, $0x38;
	[tilespmem:$0x1D000] =	vst v63  }
0x24: {  	_ =	swait.ge [sflag:s0], $0x4000  }
0x25: {  	[sflag:s0] =	ssyncset.done $0x0  }
0x26: {  	[sflag:s0] =	ssyncadd.s32 $0xFFFFC000  }
0x27: {  	[tilespmem:s25], [sflag:$0x2] =	stream.linear.gather [spmem:s17], $0x4000, $0x38;
	[tilespmem:$0x1D000] =	vst v63  }
0x28: {  	_ =	swait.ge [sflag:s30], $0x4000  }
0x29: {  	[sflag:s30] =	ssyncset.done $0x0  }
0x2a: {  	s7 =	sadd.s32 s1, s18;
	[sflag:s30] =	ssyncadd.s32 $0xFFFFC000  }
0x2b: {  	[hbm4b:s7+s4] =	stream.linear.scatter [tilespmem:s25], [sflag:s0], $0x4000, $0x38;
	[tilespmem:$0x1D000] =	vst v63  }
0x2c: {  	_ =	swait.ge [sflag:s0], $0x4000  }
0x2d: {  	[sflag:s0] =	ssyncset.done $0x0  }
0x2e: {  	[sflag:s0] =	ssyncadd.s32 $0xFFFFC000  }
0x2f: {  	[tilespmem:s25], [sflag:$0x2] =	stream.linear.gather [spmem:s19], $0x4000, $0x38;
	[tilespmem:$0x1D000] =	vst v63  }
0x30: {  	_ =	swait.ge [sflag:s30], $0x4000  }
0x31: {  	[sflag:s30] =	ssyncset.done $0x0  }
0x32: {  	s7 =	sadd.s32 s1, s20;
	[sflag:s30] =	ssyncadd.s32 $0xFFFFC000  }
0x33: {  	[hbm4b:s7+s4] =	stream.linear.scatter [tilespmem:s25], [sflag:s0], $0x4000, $0x38;
	[tilespmem:$0x1D000] =	vst v63  }
0x34: {  	_ =	swait.ge [sflag:s0], $0x4000  }
0x35: {  	[sflag:s0] =	ssyncset.done $0x0  }
0x36: {  	[sflag:s0] =	ssyncadd.s32 $0xFFFFC000  }
0x37: {  	[tilespmem:s25], [sflag:$0x2] =	stream.linear.gather [spmem:s21], $0x4000, $0x38;
	[tilespmem:$0x1D000] =	vst v63  }
0x38: {  	_ =	swait.ge [sflag:s30], $0x4000  }
0x39: {  	[sflag:s30] =	ssyncset.done $0x0  }
0x3a: {  	s7 =	sadd.s32 s1, s22;
	[sflag:s30] =	ssyncadd.s32 $0xFFFFC000  }
0x3b: {  	[hbm4b:s7+s4] =	stream.linear.scatter [tilespmem:s25], [sflag:s0], $0x4000, $0x38;
	[tilespmem:$0x1D000] =	vst v63  }
0x3c: {  	_ =	swait.ge [sflag:s0], $0x4000  }
0x3d: {  	[sflag:s0] =	ssyncset.done $0x0  }
0x3e: {  	[sflag:s0] =	ssyncadd.s32 $0xFFFFC000  }
0x3f: {  	[tilespmem:s25], [sflag:$0x2] =	stream.linear.gather [spmem:s23], $0x4000, $0x38;
	[tilespmem:$0x1D000] =	vst v63  }
0x40: {  	s31 =	sadd.s32 $0x1, s31;
	_ =	swait.ge [sflag:s30], $0x4000  }
0x41: {  	p2 =	sne.s32 s31, s11;
	[sflag:s30] =	ssyncset.done $0x0  }
.Ltmp1:
0x42: {  	s7 =	sadd.s32 s1, s24;
	[sflag:s30] =	ssyncadd.s32 $0xFFFFC000;
	(pc) =	sbr.rel @!p2 .LBB2_11-.Ltmp1, $4  }
0x43: {  	[hbm4b:s7+s4] =	stream.linear.scatter [tilespmem:s25], [sflag:s0], $0x4000, $0x38;
	[tilespmem:$0x1D000] =	vst v63  }
0x44: {  	_ =	swait.ge [sflag:s0], $0x4000  }
0x45: {  	[sflag:s0] =	ssyncset.done $0x0  }
0x46: {  	[sflag:s0] =	ssyncadd.s32 $0xFFFFC000  }
.LBB2_1:
0x47: {  	s1 =	simm.s32 $0x0;
	s2 =	simm.s32 $0x200  }
.LBB2_2:
0x48: {  	p2 =	sne.s32 s2, $0xFE00;
	[tilespmem:s1+$0x5070] =	vst v0  }
0x49: {  	[tilespmem:s1+$0x5000] =	vst v0  }
0x4a: {  	[tilespmem:s1+$0x5010] =	vst v0  }
.Ltmp2:
0x4b: {  	[tilespmem:s1+$0x5020] =	vst v0;
	(pc) =	sbr.rel @p2 .LBB2_2-.Ltmp2, $4  }
0x4c: {  	[tilespmem:s1+$0x5030] =	vst v0  }
0x4d: {  	[tilespmem:s1+$0x5040] =	vst v0  }
0x4e: {  	[tilespmem:s1+$0x5050] =	vst v0  }
0x4f: {  	[tilespmem:s1+$0x5060] =	vst v0;
	s1 =	sshra.s32 s2, $0x2;
	s2 =	sadd.s32 $0x200, s2  }
0x50: {  	[tilespmem:s1+$0x5070] =	vst v0  }
0x51: {  	[tilespmem:s1+$0x5000] =	vst v0  }
0x52: {  	[tilespmem:s1+$0x5010] =	vst v0  }
0x53: {  	[tilespmem:s1+$0x5020] =	vst v0  }
0x54: {  	[tilespmem:s1+$0x5030] =	vst v0  }
0x55: {  	[tilespmem:s1+$0x5040] =	vst v0  }
0x56: {  	[tilespmem:s1+$0x5050] =	vst v0  }
0x57: {  	[tilespmem:s1+$0x5060] =	vst v0  }
0x58: {  	[spmem:s8] =	stream.linear.scatter [tilespmem:s25], [sflag:$0x1], $0x4000, $0x38;
	[tilespmem:$0x1D000] =	vst v63  }
0x59: {  	_ =	swait.ge [sflag:s26], $0x4000  }
0x5a: {  	[sflag:s26] =	ssyncset.done $0x0  }
0x5b: {  	[sflag:s26] =	ssyncadd.s32 $0xFFFFC000  }
0x5c: {  	[spmem:s12] =	stream.linear.scatter [tilespmem:s25], [sflag:$0x1], $0x4000, $0x38;
	[tilespmem:$0x1D000] =	vst v63  }
0x5d: {  	_ =	swait.ge [sflag:s26], $0x4000  }
0x5e: {  	[sflag:s26] =	ssyncset.done $0x0  }
0x5f: {  	[sflag:s26] =	ssyncadd.s32 $0xFFFFC000  }
0x60: {  	[spmem:s13] =	stream.linear.scatter [tilespmem:s25], [sflag:$0x1], $0x4000, $0x38;
	[tilespmem:$0x1D000] =	vst v63  }
0x61: {  	_ =	swait.ge [sflag:s26], $0x4000  }
0x62: {  	[sflag:s26] =	ssyncset.done $0x0  }
0x63: {  	[sflag:s26] =	ssyncadd.s32 $0xFFFFC000  }
0x64: {  	[spmem:s14] =	stream.linear.scatter [tilespmem:s25], [sflag:$0x1], $0x4000, $0x38;
	[tilespmem:$0x1D000] =	vst v63  }
0x65: {  	_ =	swait.ge [sflag:s26], $0x4000  }
0x66: {  	[sflag:s26] =	ssyncset.done $0x0  }
0x67: {  	[sflag:s26] =	ssyncadd.s32 $0xFFFFC000  }
0x68: {  	[spmem:s15] =	stream.linear.scatter [tilespmem:s25], [sflag:$0x1], $0x4000, $0x38;
	[tilespmem:$0x1D000] =	vst v63  }
0x69: {  	_ =	swait.ge [sflag:s26], $0x4000  }
0x6a: {  	[sflag:s26] =	ssyncset.done $0x0  }
0x6b: {  	[sflag:s26] =	ssyncadd.s32 $0xFFFFC000  }
0x6c: {  	s7 =	simm.s32 $0x0;
	[bflag:$0x0] =	sbarrier.arrive $0xFFFF  }
0x6d: {  	[tilespmem:s7], [sflag:$0x1] =	stream.linear.gather [hbm4b:s9+s7], $0x2800, $0x38;
	[tilespmem:$0x1D000] =	vst v63  }
0x6e: {  	_ =	swait.ge [sflag:s26], $0x2800  }
0x6f: {  	[sflag:s26] =	ssyncset.done $0x0  }
.Ltmp3:
0x70: {  	[sflag:s26] =	ssyncadd.s32 $0xFFFFD800;
	(pc) =	sbr.rel @p0 .LBB2_7-.Ltmp3, $4  }
0x71: {  	[tilespmem:s28], [sflag:$0x1] =	stream.linear.gather [hbm4b:s10+s7], $0x2800, $0x38;
	[tilespmem:$0x1D000] =	vst v63  }
0x72: {  	_ =	swait.ge [sflag:s26], $0x2800  }
0x73: {  	[sflag:s26] =	ssyncset.done $0x0  }
0x74: {  	[sflag:s26] =	ssyncadd.s32 $0xFFFFD800  }
0x75: {  	s1 =	simm.s32 $0x0  }
0x76: {  	[tilespmem:s25], [sflag:$0x1] =	stream.indirect.gather [hbm4b:s5+s29], $0x80, s1, s29, $0xb8;
	[tilespmem:$0x1D000] =	vst v63  }
0x77: {  	_ =	swait.ge [sflag:s26], $0x4000  }
0x78: {  	[sflag:s26] =	ssyncset.done $0x0  }
0x79: {  	s7 =	simm.s32 $0x2800;
	[sflag:s26] =	ssyncadd.s32 $0xFFFFC000  }
0x7a: {  	[spmem:s3] =	stream.indirect.scatter.add.f32 [tilespmem:s25], [sflag:$0x1], $0x80, s7, s29, $0xb8;
	[tilespmem:$0x1D000] =	vst v63  }
0x7b: {  	_ =	swait.ge [sflag:s26], $0x4000  }
0x7c: {  	s2 =	simm.s32 $0x400;
	s1 =	simm.s32 $0x200;
	[sflag:s26] =	ssyncset.done $0x0  }
.LBB2_5:
0x7d: {  	s0 =	sshra.s32 s1, $0x2  }
0x7e: {  	[sflag:s26] =	ssyncadd.s32 $0xFFFFC000;
	s1 =	smov.u32 s2;
	s7 =	sadd.s32 $0x200, s2  }
0x7f: {  	[tilespmem:s25], [sflag:$0x1] =	stream.indirect.gather [hbm4b:s5+s29], $0x80, s0, s29, $0xb8;
	[tilespmem:$0x1D000] =	vst v63  }
0x80: {  	p2 =	seq.s32 s2, $0x9E00;
	_ =	swait.ge [sflag:s26], $0x4000  }
.Ltmp4:
0x81: {  	[sflag:s26] =	ssyncset.done $0x0;
	(pc) =	sbr.rel @!p2 .LBB2_5-.Ltmp4, $4  }
0x82: {  	s0 =	sadd.s32 $0x2800, s0;
	[sflag:s26] =	ssyncadd.s32 $0xFFFFC000  }
0x83: {  	[spmem:s3] =	stream.indirect.scatter.add.f32 [tilespmem:s25], [sflag:$0x1], $0x80, s0, s29, $0xb8;
	[tilespmem:$0x1D000] =	vst v63  }
0x84: {  	_ =	swait.ge [sflag:s26], $0x4000  }
0x85: {  	s2 =	smov.u32 s7;
	[sflag:s26] =	ssyncset.done $0x0  }
0x86: {  	s0 =	sshra.s32 s1, $0x2;
	[sflag:s26] =	ssyncadd.s32 $0xFFFFC000  }
0x87: {  	[tilespmem:s25], [sflag:$0x1] =	stream.indirect.gather [hbm4b:s5+s29], $0x80, s0, s29, $0xb8;
	[tilespmem:$0x1D000] =	vst v63  }
0x88: {  	_ =	swait.ge [sflag:s26], $0x4000  }
0x89: {  	[sflag:s26] =	ssyncset.done $0x0  }
0x8a: {  	s0 =	sadd.s32 $0x2800, s0;
	[sflag:s26] =	ssyncadd.s32 $0xFFFFC000  }
0x8b: {  	[spmem:s3] =	stream.indirect.scatter.add.f32 [tilespmem:s25], [sflag:$0x1], $0x80, s0, s29, $0xb8;
	[tilespmem:$0x1D000] =	vst v63  }
.Ltmp5:
0x8c: {  	_ = 	snop;
	(pc) =	sbr.rel .LBB2_10-.Ltmp5, $4  }
0x8d: {  	_ =	swait.ge [sflag:s26], $0x4000  }
0x8e: {  	[sflag:s26] =	ssyncset.done $0x0  }
0x8f: {  	[sflag:s26] =	ssyncadd.s32 $0xFFFFC000  }
0x90: {  	s1 =	rddreg [dreg:$0x1]  }
.LBB2_7:
0x91: {  	s0 =	simm.s32 $0x0  }
0x92: {  	[tilespmem:s25], [sflag:$0x1] =	stream.indirect.gather [hbm4b:s6+s29], $0x80, s0, s29, $0xb8;
	[tilespmem:$0x1D000] =	vst v63  }
0x93: {  	_ =	swait.ge [sflag:s26], $0x4000  }
0x94: {  	[sflag:s26] =	ssyncset.done $0x0  }
0x95: {  	s7 =	simm.s32 $0x2800;
	[sflag:s26] =	ssyncadd.s32 $0xFFFFC000  }
0x96: {  	[spmem:s3] =	stream.indirect.scatter.add.f32 [tilespmem:s25], [sflag:$0x1], $0x80, s7, s29, $0xb8;
	[tilespmem:$0x1D000] =	vst v63  }
0x97: {  	_ =	swait.ge [sflag:s26], $0x4000  }
0x98: {  	s1 =	simm.s32 $0x200;
	s2 =	simm.s32 $0x400;
	[sflag:s26] =	ssyncset.done $0x0  }
.LBB2_8:
0x99: {  	s0 =	sshra.s32 s1, $0x2  }
0x9a: {  	[sflag:s26] =	ssyncadd.s32 $0xFFFFC000;
	s1 =	smov.u32 s2;
	s7 =	sadd.s32 $0x200, s2  }
0x9b: {  	[tilespmem:s25], [sflag:$0x1] =	stream.indirect.gather [hbm4b:s6+s29], $0x80, s0, s29, $0xb8;
	[tilespmem:$0x1D000] =	vst v63  }
0x9c: {  	p2 =	sne.s32 s2, $0x9E00;
	_ =	swait.ge [sflag:s26], $0x4000  }
.Ltmp6:
0x9d: {  	[sflag:s26] =	ssyncset.done $0x0;
	(pc) =	sbr.rel @p2 .LBB2_8-.Ltmp6, $4  }
0x9e: {  	s0 =	sadd.s32 $0x2800, s0;
	[sflag:s26] =	ssyncadd.s32 $0xFFFFC000  }
0x9f: {  	[spmem:s3] =	stream.indirect.scatter.add.f32 [tilespmem:s25], [sflag:$0x1], $0x80, s0, s29, $0xb8;
	[tilespmem:$0x1D000] =	vst v63  }
0xa0: {  	_ =	swait.ge [sflag:s26], $0x4000  }
0xa1: {  	s2 =	smov.u32 s7;
	[sflag:s26] =	ssyncset.done $0x0  }
.Ltmp7:
0xa2: {  	_ = 	snop;
	(pc) =	sbr.rel .LBB2_9-.Ltmp7, $1  }
0xa3: {  	_ =	sdelay $0x3  }
.LBB2_11:
0xa4: {  	_ =	sfence.sel $0x180000  }
0xa5: {  	[bflag:$0x0] =	sbarrier.arrive $0xFFFF  }
0xa6: {  	_ =	strace $0x9000004A  }
0xa7: {  	s0 =	stileid.u32;
	[bflag:$0x2] =	sbarrier.arrive $0xFFFF  }
0xa8: {  	p0 =	sne.s32 s0, $0x0;
	s0 =	rddreg [dreg:$0x3]  }
0xa9: {  	s0 =	sadd.s32 @!p0 $0x100000, s0  }
0xaa: {  	[sflag:s0] =	ssyncadd.tile.s32 @!p0 $0x1;
	_ =	shalt  }
.Lfunc_end2:
_tile_overlayer_lowered:
.L_overlay_start_2:
0xab: {  	(tag) =	ssettag $0x2  }
0xac: {  	s0 =	rddreg [dreg:$0x0];
	s2 =	stileid.u32  }
0xad: {  	s1 =	rddreg [dreg:$0x1];
	p0 =	sne.s32 s2, $0x0  }
0xae: {  	s3 =	rddreg [dreg:$0x2];
	[bflag:$0x3] =	sbarrier.arrive $0xFFFF;
	s2 =	simm.s32 @!p0 $0x1C01  }
0xaf: {  	[timem:s3], [sflag:s2] =	dma.local @!p0 [hbm:s0], s1  }
0xb0: {  	s0 =	simm.s32 @!p0 $0x1  }
0xb1: {  	_ =	swait.ge @!p0 [sflag:s0], s1  }
0xb2: {  	s1 =	ssub.s32 @!p0 $0x0, s1;
	[sflag:s0] =	ssyncset.done @!p0 $0x0  }
0xb3: {  	[sflag:s0] =	ssyncadd.s32 @!p0 s1  }
0xb4: {  	[bflag:$0x3] =	sbarrier.arrive $0xFFFF  }
0xb5: {  	_ =	shalt  }

// kernel: kernel.7.cloned.1.call-start
scs
__scs_entry_jumppad:
0x0: {  	(pc) =	sbr.rel $0x88, $3  }
0x1: {  	(tag) =	ssettag $0x0;
	lr =	simm.s32 $0x1  }
0x2: {  	[smem:$0x3F9B] =	sst lr;
	_ =	strace $0xD0000000  }
0x3: {  	_ = 	snop  }
0x4: {  	_ = 	snop  }
0x5: {  	_ = 	snop  }
0x6: {  	_ = 	snop  }
0x7: {  	_ = 	snop  }
__scs_overlays_trampoline_lowered:
0x8: {  	[smem:$0x3FAA] =	sst s0  }
0x9: {  	[smem:$0x3FAB] =	sst s1  }
0xa: {  	[smem:$0x3FAC] =	sst s2  }
0xb: {  	[smem:$0x3FAD] =	sst s3  }
0xc: {  	[smem:$0x3FAE] =	sst s4  }
0xd: {  	[smem:$0x3FAF] =	sst s5  }
0xe: {  	[smem:$0x3FB0] =	sst s6  }
0xf: {  	[smem:$0x3FB1] =	sst s7  }
0x10: {  	[smem:$0x3FB2] =	sst s8  }
0x11: {  	[smem:$0x3FB3] =	sst s9;
	s0 =	simm.s32 @!p0 $0x0  }
0x12: {  	s1 =	sld [smem:$0x3F99];
	s0 =	simm.s32 @p0 $0x1  }
0x13: {  	[smem:$0x3FB4] =	sst s0;
	s0 =	simm.s32 @!p1 $0x0  }
0x14: {  	s2 =	sld [smem:$0x3F98];
	s0 =	simm.s32 @p1 $0x1  }
0x15: {  	[smem:$0x3FB5] =	sst s0;
	s0 =	simm.s32 @!p2 $0x0  }
0x16: {  	s3 =	sld [smem:$0x3FDB];
	s0 =	simm.s32 @p2 $0x1  }
0x17: {  	s4 =	simm.s32 $0x1BF5;
	[smem:$0x3FB7] =	sst s0  }
0x18: {  	s0 =	sld [smem:$0x3F9A];
	_ =	swait.ge [sflag:s4], $0x0  }
0x19: {  	s7 =	sld [smem:$0x3F9B]  }
0x1a: {  	s8 =	sadd.s32 $0xFFFFE003, lr  }
0x1b: {  	s9 =	sadd.s32 $0xFFFFFEF7, lr;
	s5 =	simm.s32 $0xFFFFFFFF;
	p2 =	slt.u32 s8, $0xFFFFF086  }
0x1c: {  	p1 =	slt.u32 s9, $0xF7A;
	s5 =	simm.s32 @!p2 $0x0  }
0x1d: {  	s5 =	simm.s32 @p1 $0x1;
	p0 =	seq.s32 s7, s2  }
0x1e: {  	s7 =	smul.u32 @!p0 $0xF7A, s2;
	p2 =	seq.s32 @!p0 s5, $0x0  }
0x1f: {  	s9 =	smul.u32 $0xF7A, s1;
	s8 =	simm.s32 @!p0 $0x1BF5;
	p2 =	por !p2, p0  }
0x20: {  	[sflag:s8] =	ssyncset.s32 @!p0 $0xFFFFF086;
	s6 =	sadd.s32 @!p0 s3, s7;
	s7 =	simm.s32 @!p0 $0x108  }
0x21: {  	s3 =	sadd.s32 s3, s9;
	s6 =	sadd.s32 @!p0 $0x88, s6;
	s7 =	simm.s32 @p2 $0x1082  }
0x22: {  	[simem:s7], [sflag:s8] =	dma.local @!p0 [hbm:s6], $0xF7A  }
0x23: {  	s9 =	sor.u32 $0xD0000000, s2;
	s6 =	simm.s32 $0x108;
	_ =	swait.ge @!p0 [sflag:s8], $0x0  }
0x24: {  	s3 =	sadd.s32 $0x88, s3;
	s6 =	simm.s32 @!p1 $0x1082;
	[sflag:s4] =	ssyncset.s32 $0xFFFFF086  }
0x25: {  	[simem:s6], [sflag:s4] =	dma.local [hbm:s3], $0xF7A  }
0x26: {  	[smem:$0x3F9B] =	sst s1;
	(tag) =	ssettag s2;
	_ =	strace s9  }
0x27: {  	s1 =	sld [smem:$0x3FAB]  }
0x28: {  	s2 =	sld [smem:$0x3FAC]  }
0x29: {  	s4 =	sld [smem:$0x3FAE]  }
0x2a: {  	p0 =	seq.s32 s5, $0x0;
	s5 =	sld [smem:$0x3FAF]  }
0x2b: {  	s6 =	sld [smem:$0x3FB0]  }
0x2c: {  	s7 =	sld [smem:$0x3FB1]  }
0x2d: {  	s3 =	simm.s32 $0x108;
	s8 =	sld [smem:$0x3FB2]  }
0x2e: {  	s3 =	simm.s32 @!p0 $0x1082;
	s9 =	sld [smem:$0x3FB3]  }
0x2f: {  	lr =	sadd.s32 s0, s3;
	s0 =	sld [smem:$0x3FAA]  }
0x30: {  	s3 =	sld [smem:$0x3FAD]  }
0x31: {  	[smem:$0x3FB6] =	sst s10  }
0x32: {  	s10 =	sld [smem:$0x3FB4];
	_ =	sdelay $0x3  }
0x33: {  	p0 =	seq.s32 s10, $0x1;
	s10 =	sld [smem:$0x3FB6];
	_ =	sdelay $0x3  }
0x34: {  	[smem:$0x3FB6] =	sst s10  }
0x35: {  	s10 =	sld [smem:$0x3FB5];
	_ =	sdelay $0x3  }
0x36: {  	p1 =	seq.s32 s10, $0x1;
	s10 =	sld [smem:$0x3FB6];
	_ =	sdelay $0x3  }
0x37: {  	[smem:$0x3FB6] =	sst s10  }
0x38: {  	s10 =	sld [smem:$0x3FB7]  }
0x39: {  	_ = 	snop;
	(pc) =	sbr.ind lr, $3  }
0x3a: {  	_ = 	snop  }
0x3b: {  	_ = 	snop  }
0x3c: {  	p2 =	seq.s32 s10, $0x1;
	s10 =	sld [smem:$0x3FB6]  }
0x3d: {  	_ =	shalt  }
0x3e: {  	_ =	shalt  }
0x3f: {  	_ =	shalt  }
0x40: {  	_ =	shalt  }
0x41: {  	_ =	shalt  }
0x42: {  	_ =	shalt  }
0x43: {  	_ =	shalt  }
0x44: {  	_ =	shalt  }
0x45: {  	_ =	shalt  }
0x46: {  	_ =	shalt  }
0x47: {  	_ =	shalt  }
0x48: {  	_ =	shalt  }
0x49: {  	_ =	shalt  }
0x4a: {  	_ =	shalt  }
0x4b: {  	_ =	shalt  }
0x4c: {  	_ =	shalt  }
0x4d: {  	_ =	shalt  }
0x4e: {  	_ =	shalt  }
0x4f: {  	_ =	shalt  }
0x50: {  	_ =	shalt  }
0x51: {  	_ =	shalt  }
0x52: {  	_ =	shalt  }
0x53: {  	_ =	shalt  }
0x54: {  	_ =	shalt  }
0x55: {  	_ =	shalt  }
0x56: {  	_ =	shalt  }
0x57: {  	_ =	shalt  }
0x58: {  	_ =	shalt  }
0x59: {  	_ =	shalt  }
0x5a: {  	_ =	shalt  }
0x5b: {  	_ =	shalt  }
0x5c: {  	_ =	shalt  }
0x5d: {  	_ =	shalt  }
0x5e: {  	_ =	shalt  }
0x5f: {  	_ =	shalt  }
0x60: {  	_ =	shalt  }
0x61: {  	_ =	shalt  }
0x62: {  	_ =	shalt  }
0x63: {  	_ =	shalt  }
0x64: {  	_ =	shalt  }
0x65: {  	_ =	shalt  }
0x66: {  	_ =	shalt  }
0x67: {  	_ =	shalt  }
0x68: {  	_ =	shalt  }
0x69: {  	_ =	shalt  }
0x6a: {  	_ =	shalt  }
0x6b: {  	_ =	shalt  }
0x6c: {  	_ =	shalt  }
0x6d: {  	_ =	shalt  }
0x6e: {  	_ =	shalt  }
0x6f: {  	_ =	shalt  }
0x70: {  	_ =	shalt  }
0x71: {  	_ =	shalt  }
0x72: {  	_ =	shalt  }
0x73: {  	_ =	shalt  }
0x74: {  	_ =	shalt  }
0x75: {  	_ =	shalt  }
0x76: {  	_ =	shalt  }
0x77: {  	_ =	shalt  }
0x78: {  	_ =	shalt  }
0x79: {  	_ =	shalt  }
0x7a: {  	_ =	shalt  }
0x7b: {  	_ =	shalt  }
0x7c: {  	_ =	shalt  }
0x7d: {  	_ =	shalt  }
0x7e: {  	_ =	shalt  }
0x7f: {  	_ =	shalt  }
0x80: {  	_ =	shalt  }
0x81: {  	_ =	shalt  }
0x82: {  	_ =	shalt  }
0x83: {  	_ =	shalt  }
0x84: {  	_ =	shalt  }
0x85: {  	_ =	shalt  }
0x86: {  	_ =	shalt  }
0x87: {  	_ =	shalt  }
.Lfunc_end0:
.L_simem_size_0:
called_computation_lowered:
.L_overlay_start_0:
0x88: {  	s2 =	sld [smem:$0x3FD9]  }
0x89: {  	s3 =	sld [smem:$0x3FFE];
	_ =	sdelay $0x1  }
0x8a: {  	s1 =	srdreg.scid  }
0x8b: {  	s0 =	sand.u32 $0x1, s1  }
0x8c: {  	s17 =	sshll.u32 s0, $0xA;
	s2 =	sadd.s32 s3, s2  }
0x8d: {  	s2 =	sadd.s32 s2, s17  }
0x8e: {  	[smem:$0x3FC2] =	sst s2  }
0x8f: {  	_ = 	snop  }
0x90: {  	s2 =	sld [smem:$0x3FD0];
	(tm) =	ssettm $0x1  }
0x91: {  	s18 =	sld [smem:$0x3FFB];
	_ =	sdelay $0x3  }
0x92: {  	_ =	strace s18  }
0x93: {  	s3 =	sld [smem:$0x3FFC];
	_ =	sdelay $0x3  }
0x94: {  	_ =	strace s3  }
0x95: {  	s3 =	sld [smem:$0x3FFD];
	_ =	sdelay $0x3  }
0x96: {  	_ =	strace s3  }
0x97: {  	_ =	strace $0x8FFFFFFF  }
0x98: {  	s19 =	sld [smem:$0x3FDB];
	_ =	sdelay $0x1  }
0x99: {  	s4 =	simm.s32 $_scs_section_size  }
0x9a: {  	s5 =	simm.s32 $_size__tile_overlayer_lowered;
	s6 =	simm.s32 $_tile_overlayer_lowered  }
0x9b: {  	s22 =	simm.s32 $0x1BFF;
	s21 =	sshll.u32 s6, $0x1;
	s3 =	sadd.s32 s4, s19  }
0x9c: {  	s7 =	simm.s32 $0x0;
	s20 =	sshll.u32 s5, $0x1;
	s5 =	sadd.s32 s21, s3  }
0x9d: {  	[timem:s7], [sflag:s22] =	dma.local [hbm:s5], s20  }
0x9e: {  	_ =	swait.ge [sflag:s22], s20  }
0x9f: {  	s4 =	ssub.s32 $0x0, s20;
	[sflag:s22] =	ssyncset.done $0x0  }
0xa0: {  	[sflag:s22] =	ssyncadd.s32 s4;
	_ =	sdelay $0x1  }
0xa1: {  	s23 =	simm.s32 $0x1B8B  }
0xa2: {  	_ =	swait.ge [sflag:s23], $0x1  }
0xa3: {  	[sflag:s23] =	ssyncset.done $0x0  }
0xa4: {  	s25 =	simm.s32 $0x1B8E;
	s24 =	sld [smem:$0x3FFE];
	[sflag:s23] =	ssyncadd.s32 $0xFFFFFFFF  }
0xa5: {  	s26 =	simm.s32 $execute0_lowered;
	[smem:$0x3FD2] =	sst s25  }
0xa6: {  	s5 =	sshll.u32 s26, $0x1;
	_ =	strace $0x80000046;
	[dreg:$0x1] =	wrdreg $0xFFFFFFFF  }
0xa7: {  	s28 =	simm.s32 $_size_execute0_lowered;
	s3 =	sadd.s32 s3, s5;
	[dreg:$0x0] =	wrdreg $0x0  }
0xa8: {  	s5 =	sshll.u32 s28, $0x1;
	[dreg:$0x2] =	wrdreg s3  }
0xa9: {  	[dreg:$0x3] =	wrdreg s5  }
0xaa: {  	[dreg:$0x4] =	wrdreg $0xC0  }
0xab: {  	_ =	task [dreg:s7], $0x5FFFF  }
0xac: {  	[dreg:$0x1] =	wrdreg $0xFFFFFFFF  }
0xad: {  	[dreg:$0x0] =	wrdreg $0x60  }
0xae: {  	[dreg:$0x2] =	wrdreg s2  }
0xaf: {  	[dreg:$0x3] =	wrdreg s24  }
0xb0: {  	[dreg:$0x4] =	wrdreg $0x54000  }
0xb1: {  	[dreg:$0x5] =	wrdreg $0x9  }
0xb2: {  	_ =	task.clear_ibuf [dreg:s7], $0x6FFFF;
	_ =	strace $0x90000046  }
0xb3: {  	s29 =	simm.s32 $0x9;
	_ =	strace $0x80000048  }
0xb4: {  	_ =	swait.ge [sflag:s29], $0x1  }
0xb5: {  	[sflag:s29] =	ssyncadd.s32 $0xFFFFFFFF  }
0xb6: {  	_ =	strace $0x90000048  }
0xb7: {  	_ =	sfence  }
0xb8: {  	s30 =	sld [smem:$0x0];
	_ =	sdelay $0x2  }
0xb9: {  	s31 =	sshll.u32 s1, $0xD;
	s1 =	sshrl.u32 s1, $0x2  }
0xba: {  	s3 =	sand.u32 $0x4000, s31;
	s1 =	sadd.s32 s1, s30  }
0xbb: {  	s0 =	sor.u32 s3, s0;
	s1 =	sshll.u32 s1, $0x11  }
0xbc: {  	s0 =	sor.u32 s1, s0  }
0xbd: {  	s0 =	sadd.s32 $0x8F2B, s0  }
0xbe: {  	[sflag:s0] =	ssyncadd.remote.s32 $0x1  }
0xbf: {  	_ =	sfence.sel $0xFFFF  }
0xc0: {  	[dreg:$0x0] =	wrdreg $0xFFFFFFFF;
	(pc) =	sbr.abs _section_cstart, $3  }
0xc1: {  	[dreg:$0x1] =	wrdreg $0xFFFFFFFF  }
0xc2: {  	_ =	task.clear_ibuf [dreg:s7], $0x2FFFF;
	_ =	strace $0x9FFFFFFF  }
0xc3: {  	(tm) =	ssettm $0x7FFFFFFF  }
tec
execute0_lowered:
.L_overlay_start_1:
0x0: {  	(tag) =	ssettag $0x1  }
0x1: {  	s5 =	rddreg [dreg:$0x0]  }
0x2: {  	s14 =	rddreg [dreg:$0x1]  }
0x3: {  	s1 =	rddreg [dreg:$0x2]  }
0x4: {  	s2 =	srdreg.scid;
	s0 =	rddreg [dreg:$0x3];
	s3 =	simm.s32 $0x0  }
0x5: {  	s20 =	simm.s32 $0x7E00;
	s23 =	simm.s32 $0x2;
	s24 =	simm.s32 $0x0  }
0x6: {  	s6 =	sand.u32 $0x1, s2;
	s2 =	stileid.u32;
	[smem:$0x7FF] =	sst s3  }
0x7: {  	s4 =	sshll.u32 s6, $0x4;
	s7 =	ssub.s32 $0x2, s6;
	s8 =	smul.u32 $0x50000, s2  }
0x8: {  	_ =	strace $0x80000047;
	s15 =	smul.u32 $0x280, s2;
	p0 =	seq.s32 s6, $0x0  }
0x9: {  	s16 =	smul.u32 $0x2800, s2;
	s4 =	sor.u32 s2, s4;
	s9 =	sshrl.u32 s7, $0x1  }
0xa: {  	s20 =	simm.s32 @!p0 $0x2FE00;
	s10 =	smul.u32 $0x280, s4;
	s7 =	ssub.s32 s7, s9  }
0xb: {  	s28 =	sshrl.u32 s8, $0x2;
	s12 =	sadd.s32 $0x80, s15;
	s13 =	sadd.s32 $0x100, s15  }
0xc: {  	s29 =	sadd.s32 $0x180, s15;
	s15 =	sadd.s32 $0x200, s15;
	s20 =	sadd.s32 s20, s14  }
0xd: {  	s4 =	sadd.s32 s28, s1;
	s6 =	smax.u32 s7, $0x1;
	s11 =	sshll.u32 s12, $0x7  }
0xe: {  	s17 =	sshll.u32 s13, $0x7;
	s18 =	sshll.u32 s12, $0x4;
	s19 =	sshll.u32 s13, $0x4  }
0xf: {  	s30 =	sshll.u32 s29, $0x7;
	s21 =	sshll.u32 s29, $0x4;
	s31 =	sshll.u32 s15, $0x7  }
0x10: {  	s22 =	sshll.u32 s15, $0x4;
	s15 =	sadd.s32 s20, s16;
	s5 =	sadd.s32 s5, s10  }
0x11: {  	s7 =	sadd.s32 $0x4000, s4;
	s8 =	sadd.s32 $0x8000, s4;
	s9 =	sadd.s32 $0xC000, s4  }
0x12: {  	s10 =	sadd.s32 $0x10000, s4;
	s11 =	sadd.s32 s11, s1;
	s12 =	sadd.s32 s17, s1  }
0x13: {  	s13 =	sadd.s32 s30, s1;
	s14 =	sadd.s32 s31, s1;
	s16 =	sadd.s32 s20, s18  }
0x14: {  	s17 =	sadd.s32 s20, s19;
	s18 =	sadd.s32 s20, s21;
	s19 =	sadd.s32 s20, s22  }
0x15: {  	v0 =	vimm.f32 $0.0e+00;
	v1 =	vimm.f32 $1.000000000e+00;
	s20 =	simm.s32 $0x1400;
	s21 =	simm.s32 $0x1;
	s22 =	simm.s32 $0x80  }
.LBB2_1:
0x16: {  	s25 =	simm.s32 $0x200;
	s26 =	simm.s32 $0x0  }
.LBB2_2:
0x17: {  	p1 =	sne.s32 s25, $0xFE00;
	[tilespmem:s26+$0x1400] =	vst v0;
	s26 =	smov.u32 s25;
	s25 =	sadd.s32 $0x200, s25  }
.Ltmp0:
0x18: {  	(pc) =	sbr.rel @p1 .LBB2_2-.Ltmp0, $2  }
0x19: {  	_ =	sdelay $0x2  }
0x1a: {  	s26 =	sshra.s32 s26, $0x2  }
0x1b: {  	[tilespmem:s26+$0x1400] =	vst v0  }
0x1c: {  	[spmem:s4] =	stream.linear.scatter [tilespmem:s20], [sflag:$0x1], $0x4000, $0x38;
	[tilespmem:$0x7C00] =	vst v63  }
0x1d: {  	_ =	swait.ge [sflag:s21], $0x4000  }
0x1e: {  	[sflag:s21] =	ssyncset.done $0x0  }
0x1f: {  	[sflag:s21] =	ssyncadd.s32 $0xFFFFC000  }
0x20: {  	[spmem:s7] =	stream.linear.scatter [tilespmem:s20], [sflag:$0x1], $0x4000, $0x38;
	[tilespmem:$0x7C00] =	vst v63  }
0x21: {  	_ =	swait.ge [sflag:s21], $0x4000  }
0x22: {  	[sflag:s21] =	ssyncset.done $0x0  }
0x23: {  	[sflag:s21] =	ssyncadd.s32 $0xFFFFC000  }
0x24: {  	[spmem:s8] =	stream.linear.scatter [tilespmem:s20], [sflag:$0x1], $0x4000, $0x38;
	[tilespmem:$0x7C00] =	vst v63  }
0x25: {  	_ =	swait.ge [sflag:s21], $0x4000  }
0x26: {  	[sflag:s21] =	ssyncset.done $0x0  }
0x27: {  	[sflag:s21] =	ssyncadd.s32 $0xFFFFC000  }
0x28: {  	[spmem:s9] =	stream.linear.scatter [tilespmem:s20], [sflag:$0x1], $0x4000, $0x38;
	[tilespmem:$0x7C00] =	vst v63  }
0x29: {  	_ =	swait.ge [sflag:s21], $0x4000  }
0x2a: {  	[sflag:s21] =	ssyncset.done $0x0  }
0x2b: {  	[sflag:s21] =	ssyncadd.s32 $0xFFFFC000  }
0x2c: {  	[spmem:s10] =	stream.linear.scatter [tilespmem:s20], [sflag:$0x1], $0x4000, $0x38;
	[tilespmem:$0x7C00] =	vst v63  }
0x2d: {  	_ =	swait.ge [sflag:s21], $0x4000  }
0x2e: {  	[sflag:s21] =	ssyncset.done $0x0  }
0x2f: {  	[sflag:s21] =	ssyncadd.s32 $0xFFFFC000  }
0x30: {  	s25 =	simm.s32 $0x0;
	[bflag:$0x0] =	sbarrier.arrive $0xFFFF  }
0x31: {  	[tilespmem:s25], [sflag:$0x1] =	stream.linear.gather [hbm4b:s5+s25], $0x1400, $0x38;
	[tilespmem:$0x7C00] =	vst v63  }
0x32: {  	_ =	swait.ge [sflag:s21], $0x1400  }
0x33: {  	[sflag:s21] =	ssyncset.done $0x0  }
0x34: {  	s26 =	simm.s32 $0x0;
	s25 =	simm.s32 $0x200;
	[sflag:s21] =	ssyncadd.s32 $0xFFFFEC00  }
.LBB2_4:
0x35: {  	p1 =	sne.s32 s25, $0xFE00;
	[tilespmem:s26+$0x1400] =	vst v1;
	s26 =	smov.u32 s25;
	s25 =	sadd.s32 $0x200, s25  }
.Ltmp1:
0x36: {  	(pc) =	sbr.rel @p1 .LBB2_4-.Ltmp1, $2  }
0x37: {  	_ =	sdelay $0x2  }
0x38: {  	s26 =	sshra.s32 s26, $0x2  }
0x39: {  	[tilespmem:s26+$0x1400] =	vst v1;
	s25 =	simm.s32 $0x0  }
0x3a: {  	[spmem:s1] =	stream.indirect.scatter.add.f32 [tilespmem:s20], [sflag:$0x1], $0x10, s25, s22, $0xb8;
	[tilespmem:$0x7C00] =	vst v63  }
0x3b: {  	_ =	swait.ge [sflag:s21], $0x800  }
0x3c: {  	s25 =	simm.s32 $0x200;
	[sflag:s21] =	ssyncset.done $0x0  }
.LBB2_6:
0x3d: {  	s26 =	sshra.s32 s25, $0x2;
	[sflag:s21] =	ssyncadd.s32 $0xFFFFF800;
	p1 =	sne.s32 s25, $0x4E00  }
0x3e: {  	[spmem:s1] =	stream.indirect.scatter.add.f32 [tilespmem:s20], [sflag:$0x1], $0x10, s26, s22, $0xb8;
	[tilespmem:$0x7C00] =	vst v63  }
.Ltmp2:
0x3f: {  	_ = 	snop;
	(pc) =	sbr.rel @p1 .LBB2_6-.Ltmp2, $4  }
0x40: {  	_ = 	snop  }
0x41: {  	s25 =	sadd.s32 $0x200, s25  }
0x42: {  	_ =	swait.ge [sflag:s21], $0x800  }
0x43: {  	[sflag:s21] =	ssyncset.done $0x0  }
0x44: {  	[sflag:s21] =	ssyncadd.s32 $0xFFFFF800  }
0x45: {  	[bflag:$0x0] =	sbarrier.arrive $0xFFFF  }
0x46: {  	[bflag:$0x0] =	sbarrier.arrive $0xFFFF  }
0x47: {  	[tilespmem:s20], [sflag:$0x2] =	stream.linear.gather [spmem:s4], $0x4000, $0x38;
	[tilespmem:$0x7C00] =	vst v63  }
0x48: {  	_ =	swait.ge [sflag:s23], $0x4000  }
0x49: {  	s25 =	simm.s32 $0x2;
	[sflag:s23] =	ssyncset.done $0x0  }
0x4a: {  	s25 =	simm.s32 @!p0 $0x1;
	[sflag:s23] =	ssyncadd.s32 $0xFFFFC000  }
0x4b: {  	[hbm4b:s15+s3] =	stream.linear.scatter [tilespmem:s20], [sflag:s25], $0x4000, $0x38;
	[tilespmem:$0x7C00] =	vst v63  }
0x4c: {  	_ =	swait.ge [sflag:s25], $0x4000  }
0x4d: {  	[sflag:s25] =	ssyncset.done $0x0  }
0x4e: {  	[sflag:s25] =	ssyncadd.s32 $0xFFFFC000  }
0x4f: {  	[tilespmem:s20], [sflag:$0x2] =	stream.linear.gather [spmem:s11], $0x4000, $0x38;
	[tilespmem:$0x7C00] =	vst v63  }
0x50: {  	_ =	swait.ge [sflag:s23], $0x4000  }
0x51: {  	[sflag:s23] =	ssyncset.done $0x0  }
0x52: {  	[sflag:s23] =	ssyncadd.s32 $0xFFFFC000  }
0x53: {  	[hbm4b:s16+s3] =	stream.linear.scatter [tilespmem:s20], [sflag:s25], $0x4000, $0x38;
	[tilespmem:$0x7C00] =	vst v63  }
0x54: {  	_ =	swait.ge [sflag:s25], $0x4000  }
0x55: {  	[sflag:s25] =	ssyncset.done $0x0  }
0x56: {  	[sflag:s25] =	ssyncadd.s32 $0xFFFFC000  }
0x57: {  	[tilespmem:s20], [sflag:$0x2] =	stream.linear.gather [spmem:s12], $0x4000, $0x38;
	[tilespmem:$0x7C00] =	vst v63  }
0x58: {  	_ =	swait.ge [sflag:s23], $0x4000  }
0x59: {  	[sflag:s23] =	ssyncset.done $0x0  }
0x5a: {  	[sflag:s23] =	ssyncadd.s32 $0xFFFFC000  }
0x5b: {  	[hbm4b:s17+s3] =	stream.linear.scatter [tilespmem:s20], [sflag:s25], $0x4000, $0x38;
	[tilespmem:$0x7C00] =	vst v63  }
0x5c: {  	_ =	swait.ge [sflag:s25], $0x4000  }
0x5d: {  	[sflag:s25] =	ssyncset.done $0x0  }
0x5e: {  	[sflag:s25] =	ssyncadd.s32 $0xFFFFC000  }
0x5f: {  	[tilespmem:s20], [sflag:$0x2] =	stream.linear.gather [spmem:s13], $0x4000, $0x38;
	[tilespmem:$0x7C00] =	vst v63  }
0x60: {  	_ =	swait.ge [sflag:s23], $0x4000  }
0x61: {  	[sflag:s23] =	ssyncset.done $0x0  }
0x62: {  	[sflag:s23] =	ssyncadd.s32 $0xFFFFC000  }
0x63: {  	[hbm4b:s18+s3] =	stream.linear.scatter [tilespmem:s20], [sflag:s25], $0x4000, $0x38;
	[tilespmem:$0x7C00] =	vst v63  }
0x64: {  	_ =	swait.ge [sflag:s25], $0x4000  }
0x65: {  	[sflag:s25] =	ssyncset.done $0x0  }
0x66: {  	[sflag:s25] =	ssyncadd.s32 $0xFFFFC000  }
0x67: {  	[tilespmem:s20], [sflag:$0x2] =	stream.linear.gather [spmem:s14], $0x4000, $0x38;
	[tilespmem:$0x7C00] =	vst v63  }
0x68: {  	s24 =	sadd.s32 $0x1, s24;
	_ =	swait.ge [sflag:s23], $0x4000  }
0x69: {  	p1 =	sne.s32 s24, s6;
	[sflag:s23] =	ssyncset.done $0x0  }
.Ltmp3:
0x6a: {  	[sflag:s23] =	ssyncadd.s32 $0xFFFFC000;
	(pc) =	sbr.rel @p1 .LBB2_1-.Ltmp3, $4  }
0x6b: {  	[hbm4b:s19+s3] =	stream.linear.scatter [tilespmem:s20], [sflag:s25], $0x4000, $0x38;
	[tilespmem:$0x7C00] =	vst v63  }
0x6c: {  	_ =	swait.ge [sflag:s25], $0x4000  }
0x6d: {  	[sflag:s25] =	ssyncset.done $0x0  }
0x6e: {  	[sflag:s25] =	ssyncadd.s32 $0xFFFFC000  }
0x6f: {  	_ =	sfence.sel $0x180000  }
0x70: {  	[bflag:$0x0] =	sbarrier.arrive $0xFFFF  }
0x71: {  	p0 =	sne.s32 s2, $0x0;
	_ =	strace $0x90000047  }
0x72: {  	s0 =	sadd.s32 @!p0 $0x100000, s0;
	[bflag:$0x2] =	sbarrier.arrive $0xFFFF  }
0x73: {  	[sflag:s0] =	ssyncadd.tile.s32 @!p0 $0x1;
	_ =	shalt  }
.Lfunc_end2:
_tile_overlayer_lowered:
.L_overlay_start_2:
0x74: {  	(tag) =	ssettag $0x2  }
0x75: {  	s0 =	rddreg [dreg:$0x0];
	s2 =	stileid.u32  }
0x76: {  	s1 =	rddreg [dreg:$0x1];
	p0 =	sne.s32 s2, $0x0  }
0x77: {  	s3 =	rddreg [dreg:$0x2];
	[bflag:$0x3] =	sbarrier.arrive $0xFFFF;
	s2 =	simm.s32 @!p0 $0x1C01  }
0x78: {  	[timem:s3], [sflag:s2] =	dma.local @!p0 [hbm:s0], s1  }
0x79: {  	s0 =	simm.s32 @!p0 $0x1  }
0x7a: {  	_ =	swait.ge @!p0 [sflag:s0], s1  }
0x7b: {  	s1 =	ssub.s32 @!p0 $0x0, s1;
	[sflag:s0] =	ssyncset.done @!p0 $0x0  }
0x7c: {  	[sflag:s0] =	ssyncadd.s32 @!p0 s1  }
0x7d: {  	[bflag:$0x3] =	sbarrier.arrive $0xFFFF  }
0x7e: {  	_ =	shalt  }

</sc_bundles>
